<compile_context>
chip_gen: v7x
topology: tpu7x:2x2x1
jax: 0.10.2.dev20260603
libtpu: 0.0.44.dev20260713+nightly
codegen_flags: <defaults>
</compile_context>

<pallas_src>
import jax
import jax.numpy as jnp
from jax import lax
from jax.experimental import pallas as pl
from jax.experimental.pallas import tpu as pltpu
from jax.experimental.pallas import tpu_sc as plsc

D_MODEL = 128
BATCH = 132
NUM_TABLES = 6
LANES = 16
NUM_TILES = 9
CHUNKS = D_MODEL // LANES
LAST_BASE = BATCH - LANES
TAIL_STORE = 128


def _sc_body(xf_hbm, t0, t1, t2, t3, t4, t5, out_hbm, xblk_v, idx_v, gath_v,
             acc_v, sem):
    wid = lax.axis_index("s")
    tables = (t0, t1, t2, t3, t4, t5)

    @pl.when(wid < NUM_TILES)
    def _():
        base_row = jnp.minimum(wid * LANES, LAST_BASE)
        pltpu.sync_copy(
            xf_hbm.at[pl.ds(base_row * NUM_TABLES, LANES * NUM_TABLES)],
            xblk_v,
        )
        lane = lax.iota(jnp.int32, LANES)
        for t in range(NUM_TABLES):
            idx_v[t, :] = plsc.load_gather(xblk_v, [lane * NUM_TABLES + t])
        copies = []
        for t in range(NUM_TABLES):
            copies.append(
                pltpu.async_copy(tables[t].at[idx_v.at[t]], gath_v.at[t], sem)
            )
        for cp in copies:
            cp.wait()

        def row(i, _):
            for c in range(CHUNKS):
                sl = pl.ds(c * LANES, LANES)
                acc_v[i, sl] = (
                    gath_v[0, i, sl]
                    + gath_v[1, i, sl]
                    + gath_v[2, i, sl]
                    + gath_v[3, i, sl]
                    + gath_v[4, i, sl]
                    + gath_v[5, i, sl]
                )
            return 0

        lax.fori_loop(0, LANES, row, 0)

        @pl.when(wid < NUM_TILES - 1)
        def _():
            off = pl.multiple_of(wid * LANES, 8)
            pltpu.sync_copy(acc_v, out_hbm.at[pl.ds(off, LANES)])

        @pl.when(wid == NUM_TILES - 1)
        def _():
            pltpu.sync_copy(
                acc_v.at[pl.ds(TAIL_STORE - LAST_BASE, BATCH - TAIL_STORE)],
                out_hbm.at[pl.ds(TAIL_STORE, BATCH - TAIL_STORE)],
            )


@jax.jit
def _sc_embed(xf, turn_table, card_table, action_table, pos_table, civ_table,
              face_table):
    mesh = plsc.VectorSubcoreMesh(core_axis_name="c", subcore_axis_name="s",
                                  num_cores=1)
    return pl.kernel(
        _sc_body,
        out_type=jax.ShapeDtypeStruct((BATCH, D_MODEL), jnp.float32),
        mesh=mesh,
        scratch_types=[
            pltpu.VMEM((LANES * NUM_TABLES,), jnp.int32),
            pltpu.VMEM((NUM_TABLES, LANES), jnp.int32),
            pltpu.VMEM((NUM_TABLES, LANES, D_MODEL), jnp.float32),
            pltpu.VMEM((LANES, D_MODEL), jnp.float32),
            pltpu.SemaphoreType.DMA,
        ],
        compiler_params=pltpu.CompilerParams(needs_layout_passes=False),
    )(xf, turn_table, card_table, action_table, pos_table, civ_table,
      face_table)


def kernel(x, turn_table, card_table, action_table, pos_table, civ_table,
           face_table):
    xf = jnp.reshape(x.astype(jnp.int32), (-1,))
    return _sc_embed(xf, turn_table, card_table, action_table, pos_table,
                     civ_table, face_table)

# --- scband reference (transcript-rebuilt; emitter-appended) ---
"""Pipeline reference for scband-embedding-42210938585157 (READ-ONLY COPY).

The authoritative reference and input builder live on the scoring server;
editing this copy changes nothing except your own understanding.
"""

import jax, jax.numpy as jnp
import numpy as np

D_MODEL = 128
NUM_CARD = 100000

def setup_inputs(seed: int = 0) -> dict:
    key = jax.random.key(seed)
    ks = jax.random.split(key, 8)
    # x: [B=132, 6]; n = (132-6)//18 = 7, so pos_emb table has n+1 = 8 rows.
    # Index values kept < 3 so they are in-range for every table (face table has only 3 rows).
    x = jax.random.randint(ks[0], (132, 6), 0, 3)
    turn_table = jax.random.normal(ks[1], (20, D_MODEL), dtype=jnp.float32) * 0.05
    card_table = jax.random.normal(ks[2], (NUM_CARD + 1, D_MODEL), dtype=jnp.float32) * 0.05
    action_table = jax.random.normal(ks[3], (4, D_MODEL), dtype=jnp.float32) * 0.05
    pos_table = jax.random.normal(ks[4], (8, D_MODEL), dtype=jnp.float32) * 0.05  # pos_emb[n=7] -> 8 rows
    civ_table = jax.random.normal(ks[5], (8, D_MODEL), dtype=jnp.float32) * 0.05
    face_table = jax.random.normal(ks[6], (3, D_MODEL), dtype=jnp.float32) * 0.05
    return {
        "x": x,
        "turn_table": turn_table,
        "card_table": card_table,
        "action_table": action_table,
        "pos_table": pos_table,
        "civ_table": civ_table,
        "face_table": face_table,
    }

def reference(x, turn_table, card_table, action_table, pos_table, civ_table, face_table):
    # n = (x.shape[0] - 6) // 18 selects pos_emb[n]; with B=132, n=7 -> pos_table (8 rows).
    turn_emb = jnp.take(turn_table, x[:, 0], axis=0)
    card_emb = jnp.take(card_table, x[:, 1], axis=0)
    action_emb = jnp.take(action_table, x[:, 2], axis=0)
    pos_emb = jnp.take(pos_table, x[:, 3], axis=0)
    civ_emb = jnp.take(civ_table, x[:, 4], axis=0)
    face_emb = jnp.take(face_table, x[:, 5], axis=0)
    total_emb = turn_emb + card_emb + action_emb + pos_emb + civ_emb + face_emb
    return total_emb

if __name__ == "__main__":
    import jax
    _d = setup_inputs()
    print(jax.jit(kernel)(*tuple(_d.values())))

</pallas_src>

<mosaic_0001>
#map = affine_map<(d0, d1) -> (0)>
#map1 = affine_map<(d0, d1) -> (0, 0)>
module attributes {stable_mosaic.version = 14 : i64} {
  func.func @_sc_body(%arg0: i32, %arg1: i32, %arg2: memref<792xi32, #tpu.memory_space<hbm>>, %arg3: memref<20x128xf32, #tpu.memory_space<hbm>>, %arg4: memref<100001x128xf32, #tpu.memory_space<hbm>>, %arg5: memref<4x128xf32, #tpu.memory_space<hbm>>, %arg6: memref<8x128xf32, #tpu.memory_space<hbm>>, %arg7: memref<8x128xf32, #tpu.memory_space<hbm>>, %arg8: memref<3x128xf32, #tpu.memory_space<hbm>>, %arg9: memref<132x128xf32, #tpu.memory_space<hbm>>, %arg10: memref<96xi32, #tpu.memory_space<vmem>>, %arg11: memref<6x16xi32, #tpu.memory_space<vmem>>, %arg12: memref<6x16x128xf32, #tpu.memory_space<vmem>>, %arg13: memref<16x128xf32, #tpu.memory_space<vmem>>, %arg14: memref<!tpu.dma_semaphore, #tpu.memory_space<semaphore_mem>>) attributes {dimension_semantics = [#tpu.dimension_semantics<core_parallel>, #tpu.dimension_semantics<subcore_parallel>], iteration_bounds = array<i64: 1, 16>, scalar_prefetch = 0 : i64, scratch_operands = 5 : i64, tpu.core_type = #tpu.core_type<sc_vector_subcore>, window_params = [{transform_indices = #map}, {transform_indices = #map1}, {transform_indices = #map1}, {transform_indices = #map1}, {transform_indices = #map1}, {transform_indices = #map1}, {transform_indices = #map1}, {transform_indices = #map1}]} {
    %lt3A = arith.constant 9 : i32
    %lt3A_0 = arith.cmpi slt, %arg1, %lt3A : i32
    %convert_element_type3A = arith.extui %lt3A_0 : i1 to i32
    %cond3A = arith.constant 0 : i32
    %cond3A_1 = arith.cmpi ne, %convert_element_type3A, %cond3A : i32
    scf.if %cond3A_1 {
      %mul3A = arith.constant 16 : i32
      %mul3A_2 = arith.muli %arg1, %mul3A : i32
      %min3A = arith.constant 116 : i32
      %min3A_3 = arith.minsi %mul3A_2, %min3A : i32
      %mul3A_4 = arith.constant 6 : i32
      %mul3A_5 = arith.muli %min3A_3, %mul3A_4 : i32
      "tpu.region"() ({
        %run_scoped3A = tpu.sem_alloc : memref<!tpu.dma_semaphore, #tpu.memory_space<semaphore_mem>>
        %dma_start3A_226 = tpu.memref_slice %arg2[%mul3A_5] : memref<792xi32, #tpu.memory_space<hbm>> -> memref<96xi32, #tpu.memory_space<hbm>>
        %dma_start3A_227 = tpu.memref_slice %arg2[%mul3A_5] : memref<792xi32, #tpu.memory_space<hbm>> -> memref<96xi32, #tpu.memory_space<hbm>>
        tpu.enqueue_dma source(%dma_start3A_227 : memref<96xi32, #tpu.memory_space<hbm>>) target(%arg10 : memref<96xi32, #tpu.memory_space<vmem>>) target_semaphore(%run_scoped3A : memref<!tpu.dma_semaphore, #tpu.memory_space<semaphore_mem>>)
        %dma_wait3A_228 = tpu.memref_slice %arg2[%mul3A_5] : memref<792xi32, #tpu.memory_space<hbm>> -> memref<96xi32, #tpu.memory_space<hbm>>
        %dma_wait3A_229 = tpu.memref_slice %arg2[%mul3A_5] : memref<792xi32, #tpu.memory_space<hbm>> -> memref<96xi32, #tpu.memory_space<hbm>>
        tpu.wait_dma2 semaphore(%run_scoped3A : memref<!tpu.dma_semaphore, #tpu.memory_space<semaphore_mem>>) src(%dma_wait3A_229 : memref<96xi32, #tpu.memory_space<hbm>>) dst(%arg10 : memref<96xi32, #tpu.memory_space<vmem>>)
        tpu.yield
      }) : () -> ()
      %iota3A = tpu.iota {dimensions = array<i32: 0>} : vector<16xi32>
      %mul3A_6 = arith.constant 6 : i32
      %mul3A_7 = vector.broadcast %mul3A_6 : i32 to vector<16xi32>
      %mul3A_8 = arith.muli %iota3A, %mul3A_7 : vector<16xi32>
      %add3A = arith.constant 0 : i32
      %add3A_9 = vector.broadcast %add3A : i32 to vector<16xi32>
      %add3A_10 = arith.addi %mul3A_8, %add3A_9 : vector<16xi32>
      %gather3A = tpu.vector_load_idx %arg10[%add3A_10] : memref<96xi32, #tpu.memory_space<vmem>>[vector<16xi32>], vector<16xi32>,
      %swap3A = arith.constant 0 : i32
      %swap3A_11 = arith.index_cast %swap3A : i32 to index
      %swap3A_12 = arith.constant 0 : index
      %swap3A_13 = tpu.vector_load %arg11[%swap3A_11, %swap3A_12] {strides = array<i32>} : memref<6x16xi32, #tpu.memory_space<vmem>>, vector<16xi32>,
      tpu.vector_store %arg11[%swap3A_11, %swap3A_12], %gather3A {strides = array<i32>} : memref<6x16xi32, #tpu.memory_space<vmem>>, vector<16xi32>,
      %mul3A_14 = arith.constant 6 : i32
      %mul3A_15 = vector.broadcast %mul3A_14 : i32 to vector<16xi32>
      %mul3A_16 = arith.muli %iota3A, %mul3A_15 : vector<16xi32>
      %add3A_17 = arith.constant 1 : i32
      %add3A_18 = vector.broadcast %add3A_17 : i32 to vector<16xi32>
      %add3A_19 = arith.addi %mul3A_16, %add3A_18 : vector<16xi32>
      %gather3A_20 = tpu.vector_load_idx %arg10[%add3A_19] : memref<96xi32, #tpu.memory_space<vmem>>[vector<16xi32>], vector<16xi32>,
      %swap3A_21 = arith.constant 1 : i32
      %swap3A_22 = arith.index_cast %swap3A_21 : i32 to index
      %swap3A_23 = arith.constant 0 : index
      %swap3A_24 = tpu.vector_load %arg11[%swap3A_22, %swap3A_23] {strides = array<i32>} : memref<6x16xi32, #tpu.memory_space<vmem>>, vector<16xi32>,
      tpu.vector_store %arg11[%swap3A_22, %swap3A_23], %gather3A_20 {strides = array<i32>} : memref<6x16xi32, #tpu.memory_space<vmem>>, vector<16xi32>,
      %mul3A_25 = arith.constant 6 : i32
      %mul3A_26 = vector.broadcast %mul3A_25 : i32 to vector<16xi32>
      %mul3A_27 = arith.muli %iota3A, %mul3A_26 : vector<16xi32>
      %add3A_28 = arith.constant 2 : i32
      %add3A_29 = vector.broadcast %add3A_28 : i32 to vector<16xi32>
      %add3A_30 = arith.addi %mul3A_27, %add3A_29 : vector<16xi32>
      %gather3A_31 = tpu.vector_load_idx %arg10[%add3A_30] : memref<96xi32, #tpu.memory_space<vmem>>[vector<16xi32>], vector<16xi32>,
      %swap3A_32 = arith.constant 2 : i32
      %swap3A_33 = arith.index_cast %swap3A_32 : i32 to index
      %swap3A_34 = arith.constant 0 : index
      %swap3A_35 = tpu.vector_load %arg11[%swap3A_33, %swap3A_34] {strides = array<i32>} : memref<6x16xi32, #tpu.memory_space<vmem>>, vector<16xi32>,
      tpu.vector_store %arg11[%swap3A_33, %swap3A_34], %gather3A_31 {strides = array<i32>} : memref<6x16xi32, #tpu.memory_space<vmem>>, vector<16xi32>,
      %mul3A_36 = arith.constant 6 : i32
      %mul3A_37 = vector.broadcast %mul3A_36 : i32 to vector<16xi32>
      %mul3A_38 = arith.muli %iota3A, %mul3A_37 : vector<16xi32>
      %add3A_39 = arith.constant 3 : i32
      %add3A_40 = vector.broadcast %add3A_39 : i32 to vector<16xi32>
      %add3A_41 = arith.addi %mul3A_38, %add3A_40 : vector<16xi32>
      %gather3A_42 = tpu.vector_load_idx %arg10[%add3A_41] : memref<96xi32, #tpu.memory_space<vmem>>[vector<16xi32>], vector<16xi32>,
      %swap3A_43 = arith.constant 3 : i32
      %swap3A_44 = arith.index_cast %swap3A_43 : i32 to index
      %swap3A_45 = arith.constant 0 : index
      %swap3A_46 = tpu.vector_load %arg11[%swap3A_44, %swap3A_45] {strides = array<i32>} : memref<6x16xi32, #tpu.memory_space<vmem>>, vector<16xi32>,
      tpu.vector_store %arg11[%swap3A_44, %swap3A_45], %gather3A_42 {strides = array<i32>} : memref<6x16xi32, #tpu.memory_space<vmem>>, vector<16xi32>,
      %mul3A_47 = arith.constant 6 : i32
      %mul3A_48 = vector.broadcast %mul3A_47 : i32 to vector<16xi32>
      %mul3A_49 = arith.muli %iota3A, %mul3A_48 : vector<16xi32>
      %add3A_50 = arith.constant 4 : i32
      %add3A_51 = vector.broadcast %add3A_50 : i32 to vector<16xi32>
      %add3A_52 = arith.addi %mul3A_49, %add3A_51 : vector<16xi32>
      %gather3A_53 = tpu.vector_load_idx %arg10[%add3A_52] : memref<96xi32, #tpu.memory_space<vmem>>[vector<16xi32>], vector<16xi32>,
      %swap3A_54 = arith.constant 4 : i32
      %swap3A_55 = arith.index_cast %swap3A_54 : i32 to index
      %swap3A_56 = arith.constant 0 : index
      %swap3A_57 = tpu.vector_load %arg11[%swap3A_55, %swap3A_56] {strides = array<i32>} : memref<6x16xi32, #tpu.memory_space<vmem>>, vector<16xi32>,
      tpu.vector_store %arg11[%swap3A_55, %swap3A_56], %gather3A_53 {strides = array<i32>} : memref<6x16xi32, #tpu.memory_space<vmem>>, vector<16xi32>,
      %mul3A_58 = arith.constant 6 : i32
      %mul3A_59 = vector.broadcast %mul3A_58 : i32 to vector<16xi32>
      %mul3A_60 = arith.muli %iota3A, %mul3A_59 : vector<16xi32>
      %add3A_61 = arith.constant 5 : i32
      %add3A_62 = vector.broadcast %add3A_61 : i32 to vector<16xi32>
      %add3A_63 = arith.addi %mul3A_60, %add3A_62 : vector<16xi32>
      %gather3A_64 = tpu.vector_load_idx %arg10[%add3A_63] : memref<96xi32, #tpu.memory_space<vmem>>[vector<16xi32>], vector<16xi32>,
      %swap3A_65 = arith.constant 5 : i32
      %swap3A_66 = arith.index_cast %swap3A_65 : i32 to index
      %swap3A_67 = arith.constant 0 : index
      %swap3A_68 = tpu.vector_load %arg11[%swap3A_66, %swap3A_67] {strides = array<i32>} : memref<6x16xi32, #tpu.memory_space<vmem>>, vector<16xi32>,
      tpu.vector_store %arg11[%swap3A_66, %swap3A_67], %gather3A_64 {strides = array<i32>} : memref<6x16xi32, #tpu.memory_space<vmem>>, vector<16xi32>,
      %dma_start3A = arith.constant 0 : i32
      %dma_start3A_69 = arith.constant 0 : i32
      %dma_start3A_70 = arith.constant 0 : i32
      %dma_start3A_71 = arith.constant 0 : i32
      %dma_start3A_72 = tpu.memref_slice %arg12[%dma_start3A_69, %dma_start3A_70, %dma_start3A_71] : memref<6x16x128xf32, #tpu.memory_space<vmem>> -> memref<1x16x128xf32, #tpu.memory_space<vmem>>
      %dma_start3A_73 = tpu.memref_squeeze %dma_start3A_72 : memref<1x16x128xf32, #tpu.memory_space<vmem>> -> memref<16x128xf32, #tpu.memory_space<vmem>>
      %dma_start3A_74 = arith.constant 0 : i32
      %dma_start3A_75 = tpu.memref_slice %arg11[%dma_start3A, %dma_start3A_74] : memref<6x16xi32, #tpu.memory_space<vmem>> -> memref<1x16xi32, #tpu.memory_space<vmem>>
      %dma_start3A_76 = tpu.memref_squeeze %dma_start3A_75 : memref<1x16xi32, #tpu.memory_space<vmem>> -> memref<16xi32, #tpu.memory_space<vmem>>
      %dma_start3A_77 = arith.constant 0 : i32
      %dma_start3A_78 = arith.constant 0 : i32
      %dma_start3A_79 = tpu.memref_slice %arg3[%dma_start3A_77, %dma_start3A_78] : memref<20x128xf32, #tpu.memory_space<hbm>> -> memref<20x128xf32, #tpu.memory_space<hbm>>
      tpu.enqueue_indirect_dma source(%dma_start3A_79 : memref<20x128xf32, #tpu.memory_space<hbm>>) target(%dma_start3A_73 : memref<16x128xf32, #tpu.memory_space<vmem>>) offsets(%dma_start3A_76 : memref<16xi32, #tpu.memory_space<vmem>>) semaphore(%arg14 : memref<!tpu.dma_semaphore, #tpu.memory_space<semaphore_mem>>)
      %dma_start3A_80 = arith.constant 1 : i32
      %dma_start3A_81 = arith.constant 1 : i32
      %dma_start3A_82 = arith.constant 0 : i32
      %dma_start3A_83 = arith.constant 0 : i32
      %dma_start3A_84 = tpu.memref_slice %arg12[%dma_start3A_81, %dma_start3A_82, %dma_start3A_83] : memref<6x16x128xf32, #tpu.memory_space<vmem>> -> memref<1x16x128xf32, #tpu.memory_space<vmem>>
      %dma_start3A_85 = tpu.memref_squeeze %dma_start3A_84 : memref<1x16x128xf32, #tpu.memory_space<vmem>> -> memref<16x128xf32, #tpu.memory_space<vmem>>
      %dma_start3A_86 = arith.constant 0 : i32
      %dma_start3A_87 = tpu.memref_slice %arg11[%dma_start3A_80, %dma_start3A_86] : memref<6x16xi32, #tpu.memory_space<vmem>> -> memref<1x16xi32, #tpu.memory_space<vmem>>
      %dma_start3A_88 = tpu.memref_squeeze %dma_start3A_87 : memref<1x16xi32, #tpu.memory_space<vmem>> -> memref<16xi32, #tpu.memory_space<vmem>>
      %dma_start3A_89 = arith.constant 0 : i32
      %dma_start3A_90 = arith.constant 0 : i32
      %dma_start3A_91 = tpu.memref_slice %arg4[%dma_start3A_89, %dma_start3A_90] : memref<100001x128xf32, #tpu.memory_space<hbm>> -> memref<100001x128xf32, #tpu.memory_space<hbm>>
      tpu.enqueue_indirect_dma source(%dma_start3A_91 : memref<100001x128xf32, #tpu.memory_space<hbm>>) target(%dma_start3A_85 : memref<16x128xf32, #tpu.memory_space<vmem>>) offsets(%dma_start3A_88 : memref<16xi32, #tpu.memory_space<vmem>>) semaphore(%arg14 : memref<!tpu.dma_semaphore, #tpu.memory_space<semaphore_mem>>)
      %dma_start3A_92 = arith.constant 2 : i32
      %dma_start3A_93 = arith.constant 2 : i32
      %dma_start3A_94 = arith.constant 0 : i32
      %dma_start3A_95 = arith.constant 0 : i32
      %dma_start3A_96 = tpu.memref_slice %arg12[%dma_start3A_93, %dma_start3A_94, %dma_start3A_95] : memref<6x16x128xf32, #tpu.memory_space<vmem>> -> memref<1x16x128xf32, #tpu.memory_space<vmem>>
      %dma_start3A_97 = tpu.memref_squeeze %dma_start3A_96 : memref<1x16x128xf32, #tpu.memory_space<vmem>> -> memref<16x128xf32, #tpu.memory_space<vmem>>
      %dma_start3A_98 = arith.constant 0 : i32
      %dma_start3A_99 = tpu.memref_slice %arg11[%dma_start3A_92, %dma_start3A_98] : memref<6x16xi32, #tpu.memory_space<vmem>> -> memref<1x16xi32, #tpu.memory_space<vmem>>
      %dma_start3A_100 = tpu.memref_squeeze %dma_start3A_99 : memref<1x16xi32, #tpu.memory_space<vmem>> -> memref<16xi32, #tpu.memory_space<vmem>>
      %dma_start3A_101 = arith.constant 0 : i32
      %dma_start3A_102 = arith.constant 0 : i32
      %dma_start3A_103 = tpu.memref_slice %arg5[%dma_start3A_101, %dma_start3A_102] : memref<4x128xf32, #tpu.memory_space<hbm>> -> memref<4x128xf32, #tpu.memory_space<hbm>>
      tpu.enqueue_indirect_dma source(%dma_start3A_103 : memref<4x128xf32, #tpu.memory_space<hbm>>) target(%dma_start3A_97 : memref<16x128xf32, #tpu.memory_space<vmem>>) offsets(%dma_start3A_100 : memref<16xi32, #tpu.memory_space<vmem>>) semaphore(%arg14 : memref<!tpu.dma_semaphore, #tpu.memory_space<semaphore_mem>>)
      %dma_start3A_104 = arith.constant 3 : i32
      %dma_start3A_105 = arith.constant 3 : i32
      %dma_start3A_106 = arith.constant 0 : i32
      %dma_start3A_107 = arith.constant 0 : i32
      %dma_start3A_108 = tpu.memref_slice %arg12[%dma_start3A_105, %dma_start3A_106, %dma_start3A_107] : memref<6x16x128xf32, #tpu.memory_space<vmem>> -> memref<1x16x128xf32, #tpu.memory_space<vmem>>
      %dma_start3A_109 = tpu.memref_squeeze %dma_start3A_108 : memref<1x16x128xf32, #tpu.memory_space<vmem>> -> memref<16x128xf32, #tpu.memory_space<vmem>>
      %dma_start3A_110 = arith.constant 0 : i32
      %dma_start3A_111 = tpu.memref_slice %arg11[%dma_start3A_104, %dma_start3A_110] : memref<6x16xi32, #tpu.memory_space<vmem>> -> memref<1x16xi32, #tpu.memory_space<vmem>>
      %dma_start3A_112 = tpu.memref_squeeze %dma_start3A_111 : memref<1x16xi32, #tpu.memory_space<vmem>> -> memref<16xi32, #tpu.memory_space<vmem>>
      %dma_start3A_113 = arith.constant 0 : i32
      %dma_start3A_114 = arith.constant 0 : i32
      %dma_start3A_115 = tpu.memref_slice %arg6[%dma_start3A_113, %dma_start3A_114] : memref<8x128xf32, #tpu.memory_space<hbm>> -> memref<8x128xf32, #tpu.memory_space<hbm>>
      tpu.enqueue_indirect_dma source(%dma_start3A_115 : memref<8x128xf32, #tpu.memory_space<hbm>>) target(%dma_start3A_109 : memref<16x128xf32, #tpu.memory_space<vmem>>) offsets(%dma_start3A_112 : memref<16xi32, #tpu.memory_space<vmem>>) semaphore(%arg14 : memref<!tpu.dma_semaphore, #tpu.memory_space<semaphore_mem>>)
      %dma_start3A_116 = arith.constant 4 : i32
      %dma_start3A_117 = arith.constant 4 : i32
      %dma_start3A_118 = arith.constant 0 : i32
      %dma_start3A_119 = arith.constant 0 : i32
      %dma_start3A_120 = tpu.memref_slice %arg12[%dma_start3A_117, %dma_start3A_118, %dma_start3A_119] : memref<6x16x128xf32, #tpu.memory_space<vmem>> -> memref<1x16x128xf32, #tpu.memory_space<vmem>>
      %dma_start3A_121 = tpu.memref_squeeze %dma_start3A_120 : memref<1x16x128xf32, #tpu.memory_space<vmem>> -> memref<16x128xf32, #tpu.memory_space<vmem>>
      %dma_start3A_122 = arith.constant 0 : i32
      %dma_start3A_123 = tpu.memref_slice %arg11[%dma_start3A_116, %dma_start3A_122] : memref<6x16xi32, #tpu.memory_space<vmem>> -> memref<1x16xi32, #tpu.memory_space<vmem>>
      %dma_start3A_124 = tpu.memref_squeeze %dma_start3A_123 : memref<1x16xi32, #tpu.memory_space<vmem>> -> memref<16xi32, #tpu.memory_space<vmem>>
      %dma_start3A_125 = arith.constant 0 : i32
      %dma_start3A_126 = arith.constant 0 : i32
      %dma_start3A_127 = tpu.memref_slice %arg7[%dma_start3A_125, %dma_start3A_126] : memref<8x128xf32, #tpu.memory_space<hbm>> -> memref<8x128xf32, #tpu.memory_space<hbm>>
      tpu.enqueue_indirect_dma source(%dma_start3A_127 : memref<8x128xf32, #tpu.memory_space<hbm>>) target(%dma_start3A_121 : memref<16x128xf32, #tpu.memory_space<vmem>>) offsets(%dma_start3A_124 : memref<16xi32, #tpu.memory_space<vmem>>) semaphore(%arg14 : memref<!tpu.dma_semaphore, #tpu.memory_space<semaphore_mem>>)
      %dma_start3A_128 = arith.constant 5 : i32
      %dma_start3A_129 = arith.constant 5 : i32
      %dma_start3A_130 = arith.constant 0 : i32
      %dma_start3A_131 = arith.constant 0 : i32
      %dma_start3A_132 = tpu.memref_slice %arg12[%dma_start3A_129, %dma_start3A_130, %dma_start3A_131] : memref<6x16x128xf32, #tpu.memory_space<vmem>> -> memref<1x16x128xf32, #tpu.memory_space<vmem>>
      %dma_start3A_133 = tpu.memref_squeeze %dma_start3A_132 : memref<1x16x128xf32, #tpu.memory_space<vmem>> -> memref<16x128xf32, #tpu.memory_space<vmem>>
      %dma_start3A_134 = arith.constant 0 : i32
      %dma_start3A_135 = tpu.memref_slice %arg11[%dma_start3A_128, %dma_start3A_134] : memref<6x16xi32, #tpu.memory_space<vmem>> -> memref<1x16xi32, #tpu.memory_space<vmem>>
      %dma_start3A_136 = tpu.memref_squeeze %dma_start3A_135 : memref<1x16xi32, #tpu.memory_space<vmem>> -> memref<16xi32, #tpu.memory_space<vmem>>
      %dma_start3A_137 = arith.constant 0 : i32
      %dma_start3A_138 = arith.constant 0 : i32
      %dma_start3A_139 = tpu.memref_slice %arg8[%dma_start3A_137, %dma_start3A_138] : memref<3x128xf32, #tpu.memory_space<hbm>> -> memref<3x128xf32, #tpu.memory_space<hbm>>
      tpu.enqueue_indirect_dma source(%dma_start3A_139 : memref<3x128xf32, #tpu.memory_space<hbm>>) target(%dma_start3A_133 : memref<16x128xf32, #tpu.memory_space<vmem>>) offsets(%dma_start3A_136 : memref<16xi32, #tpu.memory_space<vmem>>) semaphore(%arg14 : memref<!tpu.dma_semaphore, #tpu.memory_space<semaphore_mem>>)
      %dma_wait3A = arith.constant 0 : i32
      %dma_wait3A_140 = arith.constant 0 : i32
      %dma_wait3A_141 = arith.constant 0 : i32
      %dma_wait3A_142 = arith.constant 0 : i32
      %dma_wait3A_143 = tpu.memref_slice %arg12[%dma_wait3A_140, %dma_wait3A_141, %dma_wait3A_142] : memref<6x16x128xf32, #tpu.memory_space<vmem>> -> memref<1x16x128xf32, #tpu.memory_space<vmem>>
      %dma_wait3A_144 = tpu.memref_squeeze %dma_wait3A_143 : memref<1x16x128xf32, #tpu.memory_space<vmem>> -> memref<16x128xf32, #tpu.memory_space<vmem>>
      %dma_wait3A_145 = arith.constant 0 : i32
      %dma_wait3A_146 = tpu.memref_slice %arg11[%dma_wait3A, %dma_wait3A_145] : memref<6x16xi32, #tpu.memory_space<vmem>> -> memref<1x16xi32, #tpu.memory_space<vmem>>
      %dma_wait3A_147 = tpu.memref_squeeze %dma_wait3A_146 : memref<1x16xi32, #tpu.memory_space<vmem>> -> memref<16xi32, #tpu.memory_space<vmem>>
      %dma_wait3A_148 = arith.constant 0 : i32
      %dma_wait3A_149 = arith.constant 0 : i32
      %dma_wait3A_150 = tpu.memref_slice %arg3[%dma_wait3A_148, %dma_wait3A_149] : memref<20x128xf32, #tpu.memory_space<hbm>> -> memref<20x128xf32, #tpu.memory_space<hbm>>
      tpu.wait_indirect_dma semaphore(%arg14 : memref<!tpu.dma_semaphore, #tpu.memory_space<semaphore_mem>>) src(%dma_wait3A_150 : memref<20x128xf32, #tpu.memory_space<hbm>>) dst(%dma_wait3A_144 : memref<16x128xf32, #tpu.memory_space<vmem>>)
      %dma_wait3A_151 = arith.constant 1 : i32
      %dma_wait3A_152 = arith.constant 1 : i32
      %dma_wait3A_153 = arith.constant 0 : i32
      %dma_wait3A_154 = arith.constant 0 : i32
      %dma_wait3A_155 = tpu.memref_slice %arg12[%dma_wait3A_152, %dma_wait3A_153, %dma_wait3A_154] : memref<6x16x128xf32, #tpu.memory_space<vmem>> -> memref<1x16x128xf32, #tpu.memory_space<vmem>>
      %dma_wait3A_156 = tpu.memref_squeeze %dma_wait3A_155 : memref<1x16x128xf32, #tpu.memory_space<vmem>> -> memref<16x128xf32, #tpu.memory_space<vmem>>
      %dma_wait3A_157 = arith.constant 0 : i32
      %dma_wait3A_158 = tpu.memref_slice %arg11[%dma_wait3A_151, %dma_wait3A_157] : memref<6x16xi32, #tpu.memory_space<vmem>> -> memref<1x16xi32, #tpu.memory_space<vmem>>
      %dma_wait3A_159 = tpu.memref_squeeze %dma_wait3A_158 : memref<1x16xi32, #tpu.memory_space<vmem>> -> memref<16xi32, #tpu.memory_space<vmem>>
      %dma_wait3A_160 = arith.constant 0 : i32
      %dma_wait3A_161 = arith.constant 0 : i32
      %dma_wait3A_162 = tpu.memref_slice %arg4[%dma_wait3A_160, %dma_wait3A_161] : memref<100001x128xf32, #tpu.memory_space<hbm>> -> memref<100001x128xf32, #tpu.memory_space<hbm>>
      tpu.wait_indirect_dma semaphore(%arg14 : memref<!tpu.dma_semaphore, #tpu.memory_space<semaphore_mem>>) src(%dma_wait3A_162 : memref<100001x128xf32, #tpu.memory_space<hbm>>) dst(%dma_wait3A_156 : memref<16x128xf32, #tpu.memory_space<vmem>>)
      %dma_wait3A_163 = arith.constant 2 : i32
      %dma_wait3A_164 = arith.constant 2 : i32
      %dma_wait3A_165 = arith.constant 0 : i32
      %dma_wait3A_166 = arith.constant 0 : i32
      %dma_wait3A_167 = tpu.memref_slice %arg12[%dma_wait3A_164, %dma_wait3A_165, %dma_wait3A_166] : memref<6x16x128xf32, #tpu.memory_space<vmem>> -> memref<1x16x128xf32, #tpu.memory_space<vmem>>
      %dma_wait3A_168 = tpu.memref_squeeze %dma_wait3A_167 : memref<1x16x128xf32, #tpu.memory_space<vmem>> -> memref<16x128xf32, #tpu.memory_space<vmem>>
      %dma_wait3A_169 = arith.constant 0 : i32
      %dma_wait3A_170 = tpu.memref_slice %arg11[%dma_wait3A_163, %dma_wait3A_169] : memref<6x16xi32, #tpu.memory_space<vmem>> -> memref<1x16xi32, #tpu.memory_space<vmem>>
      %dma_wait3A_171 = tpu.memref_squeeze %dma_wait3A_170 : memref<1x16xi32, #tpu.memory_space<vmem>> -> memref<16xi32, #tpu.memory_space<vmem>>
      %dma_wait3A_172 = arith.constant 0 : i32
      %dma_wait3A_173 = arith.constant 0 : i32
      %dma_wait3A_174 = tpu.memref_slice %arg5[%dma_wait3A_172, %dma_wait3A_173] : memref<4x128xf32, #tpu.memory_space<hbm>> -> memref<4x128xf32, #tpu.memory_space<hbm>>
      tpu.wait_indirect_dma semaphore(%arg14 : memref<!tpu.dma_semaphore, #tpu.memory_space<semaphore_mem>>) src(%dma_wait3A_174 : memref<4x128xf32, #tpu.memory_space<hbm>>) dst(%dma_wait3A_168 : memref<16x128xf32, #tpu.memory_space<vmem>>)
      %dma_wait3A_175 = arith.constant 3 : i32
      %dma_wait3A_176 = arith.constant 3 : i32
      %dma_wait3A_177 = arith.constant 0 : i32
      %dma_wait3A_178 = arith.constant 0 : i32
      %dma_wait3A_179 = tpu.memref_slice %arg12[%dma_wait3A_176, %dma_wait3A_177, %dma_wait3A_178] : memref<6x16x128xf32, #tpu.memory_space<vmem>> -> memref<1x16x128xf32, #tpu.memory_space<vmem>>
      %dma_wait3A_180 = tpu.memref_squeeze %dma_wait3A_179 : memref<1x16x128xf32, #tpu.memory_space<vmem>> -> memref<16x128xf32, #tpu.memory_space<vmem>>
      %dma_wait3A_181 = arith.constant 0 : i32
      %dma_wait3A_182 = tpu.memref_slice %arg11[%dma_wait3A_175, %dma_wait3A_181] : memref<6x16xi32, #tpu.memory_space<vmem>> -> memref<1x16xi32, #tpu.memory_space<vmem>>
      %dma_wait3A_183 = tpu.memref_squeeze %dma_wait3A_182 : memref<1x16xi32, #tpu.memory_space<vmem>> -> memref<16xi32, #tpu.memory_space<vmem>>
      %dma_wait3A_184 = arith.constant 0 : i32
      %dma_wait3A_185 = arith.constant 0 : i32
      %dma_wait3A_186 = tpu.memref_slice %arg6[%dma_wait3A_184, %dma_wait3A_185] : memref<8x128xf32, #tpu.memory_space<hbm>> -> memref<8x128xf32, #tpu.memory_space<hbm>>
      tpu.wait_indirect_dma semaphore(%arg14 : memref<!tpu.dma_semaphore, #tpu.memory_space<semaphore_mem>>) src(%dma_wait3A_186 : memref<8x128xf32, #tpu.memory_space<hbm>>) dst(%dma_wait3A_180 : memref<16x128xf32, #tpu.memory_space<vmem>>)
      %dma_wait3A_187 = arith.constant 4 : i32
      %dma_wait3A_188 = arith.constant 4 : i32
      %dma_wait3A_189 = arith.constant 0 : i32
      %dma_wait3A_190 = arith.constant 0 : i32
      %dma_wait3A_191 = tpu.memref_slice %arg12[%dma_wait3A_188, %dma_wait3A_189, %dma_wait3A_190] : memref<6x16x128xf32, #tpu.memory_space<vmem>> -> memref<1x16x128xf32, #tpu.memory_space<vmem>>
      %dma_wait3A_192 = tpu.memref_squeeze %dma_wait3A_191 : memref<1x16x128xf32, #tpu.memory_space<vmem>> -> memref<16x128xf32, #tpu.memory_space<vmem>>
      %dma_wait3A_193 = arith.constant 0 : i32
      %dma_wait3A_194 = tpu.memref_slice %arg11[%dma_wait3A_187, %dma_wait3A_193] : memref<6x16xi32, #tpu.memory_space<vmem>> -> memref<1x16xi32, #tpu.memory_space<vmem>>
      %dma_wait3A_195 = tpu.memref_squeeze %dma_wait3A_194 : memref<1x16xi32, #tpu.memory_space<vmem>> -> memref<16xi32, #tpu.memory_space<vmem>>
      %dma_wait3A_196 = arith.constant 0 : i32
      %dma_wait3A_197 = arith.constant 0 : i32
      %dma_wait3A_198 = tpu.memref_slice %arg7[%dma_wait3A_196, %dma_wait3A_197] : memref<8x128xf32, #tpu.memory_space<hbm>> -> memref<8x128xf32, #tpu.memory_space<hbm>>
      tpu.wait_indirect_dma semaphore(%arg14 : memref<!tpu.dma_semaphore, #tpu.memory_space<semaphore_mem>>) src(%dma_wait3A_198 : memref<8x128xf32, #tpu.memory_space<hbm>>) dst(%dma_wait3A_192 : memref<16x128xf32, #tpu.memory_space<vmem>>)
      %dma_wait3A_199 = arith.constant 5 : i32
      %dma_wait3A_200 = arith.constant 5 : i32
      %dma_wait3A_201 = arith.constant 0 : i32
      %dma_wait3A_202 = arith.constant 0 : i32
      %dma_wait3A_203 = tpu.memref_slice %arg12[%dma_wait3A_200, %dma_wait3A_201, %dma_wait3A_202] : memref<6x16x128xf32, #tpu.memory_space<vmem>> -> memref<1x16x128xf32, #tpu.memory_space<vmem>>
      %dma_wait3A_204 = tpu.memref_squeeze %dma_wait3A_203 : memref<1x16x128xf32, #tpu.memory_space<vmem>> -> memref<16x128xf32, #tpu.memory_space<vmem>>
      %dma_wait3A_205 = arith.constant 0 : i32
      %dma_wait3A_206 = tpu.memref_slice %arg11[%dma_wait3A_199, %dma_wait3A_205] : memref<6x16xi32, #tpu.memory_space<vmem>> -> memref<1x16xi32, #tpu.memory_space<vmem>>
      %dma_wait3A_207 = tpu.memref_squeeze %dma_wait3A_206 : memref<1x16xi32, #tpu.memory_space<vmem>> -> memref<16xi32, #tpu.memory_space<vmem>>
      %dma_wait3A_208 = arith.constant 0 : i32
      %dma_wait3A_209 = arith.constant 0 : i32
      %dma_wait3A_210 = tpu.memref_slice %arg8[%dma_wait3A_208, %dma_wait3A_209] : memref<3x128xf32, #tpu.memory_space<hbm>> -> memref<3x128xf32, #tpu.memory_space<hbm>>
      tpu.wait_indirect_dma semaphore(%arg14 : memref<!tpu.dma_semaphore, #tpu.memory_space<semaphore_mem>>) src(%dma_wait3A_210 : memref<3x128xf32, #tpu.memory_space<hbm>>) dst(%dma_wait3A_204 : memref<16x128xf32, #tpu.memory_space<vmem>>)
      %scan3A = arith.constant 0 : i32
      %scan3A_211 = arith.constant 0 : i32
      %scan3A_212 = arith.constant 16 : i32
      %scan3A_213 = arith.addi %scan3A_211, %scan3A_212 : i32
      %scan3A_214 = arith.constant 1 : i32
      %scan3A_215 = scf.for %scan3A_226 = %scan3A_211 to %scan3A_213 step %scan3A_214 iter_args(%scan3A_227 = %scan3A) -> (i32)  : i32 {
        %get3A = arith.constant 0 : i32
        %get3A_228 = arith.index_cast %get3A : i32 to index
        %get3A_229 = arith.index_cast %scan3A_226 : i32 to index
        %get3A_230 = arith.constant 0 : index
        %get3A_231 = tpu.vector_load %arg12[%get3A_228, %get3A_229, %get3A_230] {strides = array<i32>} : memref<6x16x128xf32, #tpu.memory_space<vmem>>, vector<16xf32>,
        %get3A_232 = arith.constant 1 : i32
        %get3A_233 = arith.index_cast %get3A_232 : i32 to index
        %get3A_234 = arith.index_cast %scan3A_226 : i32 to index
        %get3A_235 = arith.constant 0 : index
        %get3A_236 = tpu.vector_load %arg12[%get3A_233, %get3A_234, %get3A_235] {strides = array<i32>} : memref<6x16x128xf32, #tpu.memory_space<vmem>>, vector<16xf32>,
        %add3A_237 = arith.addf %get3A_231, %get3A_236 : vector<16xf32>
        %get3A_238 = arith.constant 2 : i32
        %get3A_239 = arith.index_cast %get3A_238 : i32 to index
        %get3A_240 = arith.index_cast %scan3A_226 : i32 to index
        %get3A_241 = arith.constant 0 : index
        %get3A_242 = tpu.vector_load %arg12[%get3A_239, %get3A_240, %get3A_241] {strides = array<i32>} : memref<6x16x128xf32, #tpu.memory_space<vmem>>, vector<16xf32>,
        %add3A_243 = arith.addf %add3A_237, %get3A_242 : vector<16xf32>
        %get3A_244 = arith.constant 3 : i32
        %get3A_245 = arith.index_cast %get3A_244 : i32 to index
        %get3A_246 = arith.index_cast %scan3A_226 : i32 to index
        %get3A_247 = arith.constant 0 : index
        %get3A_248 = tpu.vector_load %arg12[%get3A_245, %get3A_246, %get3A_247] {strides = array<i32>} : memref<6x16x128xf32, #tpu.memory_space<vmem>>, vector<16xf32>,
        %add3A_249 = arith.addf %add3A_243, %get3A_248 : vector<16xf32>
        %get3A_250 = arith.constant 4 : i32
        %get3A_251 = arith.index_cast %get3A_250 : i32 to index
        %get3A_252 = arith.index_cast %scan3A_226 : i32 to index
        %get3A_253 = arith.constant 0 : index
        %get3A_254 = tpu.vector_load %arg12[%get3A_251, %get3A_252, %get3A_253] {strides = array<i32>} : memref<6x16x128xf32, #tpu.memory_space<vmem>>, vector<16xf32>,
        %add3A_255 = arith.addf %add3A_249, %get3A_254 : vector<16xf32>
        %get3A_256 = arith.constant 5 : i32
        %get3A_257 = arith.index_cast %get3A_256 : i32 to index
        %get3A_258 = arith.index_cast %scan3A_226 : i32 to index
        %get3A_259 = arith.constant 0 : index
        %get3A_260 = tpu.vector_load %arg12[%get3A_257, %get3A_258, %get3A_259] {strides = array<i32>} : memref<6x16x128xf32, #tpu.memory_space<vmem>>, vector<16xf32>,
        %add3A_261 = arith.addf %add3A_255, %get3A_260 : vector<16xf32>
        %swap3A_262 = arith.index_cast %scan3A_226 : i32 to index
        %swap3A_263 = arith.constant 0 : index
        %swap3A_264 = tpu.vector_load %arg13[%swap3A_262, %swap3A_263] {strides = array<i32>} : memref<16x128xf32, #tpu.memory_space<vmem>>, vector<16xf32>,
        tpu.vector_store %arg13[%swap3A_262, %swap3A_263], %add3A_261 {strides = array<i32>} : memref<16x128xf32, #tpu.memory_space<vmem>>, vector<16xf32>,
        %get3A_265 = arith.constant 0 : i32
        %get3A_266 = arith.index_cast %get3A_265 : i32 to index
        %get3A_267 = arith.index_cast %scan3A_226 : i32 to index
        %get3A_268 = arith.constant 16 : index
        %get3A_269 = tpu.vector_load %arg12[%get3A_266, %get3A_267, %get3A_268] {strides = array<i32>} : memref<6x16x128xf32, #tpu.memory_space<vmem>>, vector<16xf32>,
        %get3A_270 = arith.constant 1 : i32
        %get3A_271 = arith.index_cast %get3A_270 : i32 to index
        %get3A_272 = arith.index_cast %scan3A_226 : i32 to index
        %get3A_273 = arith.constant 16 : index
        %get3A_274 = tpu.vector_load %arg12[%get3A_271, %get3A_272, %get3A_273] {strides = array<i32>} : memref<6x16x128xf32, #tpu.memory_space<vmem>>, vector<16xf32>,
        %add3A_275 = arith.addf %get3A_269, %get3A_274 : vector<16xf32>
        %get3A_276 = arith.constant 2 : i32
        %get3A_277 = arith.index_cast %get3A_276 : i32 to index
        %get3A_278 = arith.index_cast %scan3A_226 : i32 to index
        %get3A_279 = arith.constant 16 : index
        %get3A_280 = tpu.vector_load %arg12[%get3A_277, %get3A_278, %get3A_279] {strides = array<i32>} : memref<6x16x128xf32, #tpu.memory_space<vmem>>, vector<16xf32>,
        %add3A_281 = arith.addf %add3A_275, %get3A_280 : vector<16xf32>
        %get3A_282 = arith.constant 3 : i32
        %get3A_283 = arith.index_cast %get3A_282 : i32 to index
        %get3A_284 = arith.index_cast %scan3A_226 : i32 to index
        %get3A_285 = arith.constant 16 : index
        %get3A_286 = tpu.vector_load %arg12[%get3A_283, %get3A_284, %get3A_285] {strides = array<i32>} : memref<6x16x128xf32, #tpu.memory_space<vmem>>, vector<16xf32>,
        %add3A_287 = arith.addf %add3A_281, %get3A_286 : vector<16xf32>
        %get3A_288 = arith.constant 4 : i32
        %get3A_289 = arith.index_cast %get3A_288 : i32 to index
        %get3A_290 = arith.index_cast %scan3A_226 : i32 to index
        %get3A_291 = arith.constant 16 : index
        %get3A_292 = tpu.vector_load %arg12[%get3A_289, %get3A_290, %get3A_291] {strides = array<i32>} : memref<6x16x128xf32, #tpu.memory_space<vmem>>, vector<16xf32>,
        %add3A_293 = arith.addf %add3A_287, %get3A_292 : vector<16xf32>
        %get3A_294 = arith.constant 5 : i32
        %get3A_295 = arith.index_cast %get3A_294 : i32 to index
        %get3A_296 = arith.index_cast %scan3A_226 : i32 to index
        %get3A_297 = arith.constant 16 : index
        %get3A_298 = tpu.vector_load %arg12[%get3A_295, %get3A_296, %get3A_297] {strides = array<i32>} : memref<6x16x128xf32, #tpu.memory_space<vmem>>, vector<16xf32>,
        %add3A_299 = arith.addf %add3A_293, %get3A_298 : vector<16xf32>
        %swap3A_300 = arith.index_cast %scan3A_226 : i32 to index
        %swap3A_301 = arith.constant 16 : index
        %swap3A_302 = tpu.vector_load %arg13[%swap3A_300, %swap3A_301] {strides = array<i32>} : memref<16x128xf32, #tpu.memory_space<vmem>>, vector<16xf32>,
        tpu.vector_store %arg13[%swap3A_300, %swap3A_301], %add3A_299 {strides = array<i32>} : memref<16x128xf32, #tpu.memory_space<vmem>>, vector<16xf32>,
        %get3A_303 = arith.constant 0 : i32
        %get3A_304 = arith.index_cast %get3A_303 : i32 to index
        %get3A_305 = arith.index_cast %scan3A_226 : i32 to index
        %get3A_306 = arith.constant 32 : index
        %get3A_307 = tpu.vector_load %arg12[%get3A_304, %get3A_305, %get3A_306] {strides = array<i32>} : memref<6x16x128xf32, #tpu.memory_space<vmem>>, vector<16xf32>,
        %get3A_308 = arith.constant 1 : i32
        %get3A_309 = arith.index_cast %get3A_308 : i32 to index
        %get3A_310 = arith.index_cast %scan3A_226 : i32 to index
        %get3A_311 = arith.constant 32 : index
        %get3A_312 = tpu.vector_load %arg12[%get3A_309, %get3A_310, %get3A_311] {strides = array<i32>} : memref<6x16x128xf32, #tpu.memory_space<vmem>>, vector<16xf32>,
        %add3A_313 = arith.addf %get3A_307, %get3A_312 : vector<16xf32>
        %get3A_314 = arith.constant 2 : i32
        %get3A_315 = arith.index_cast %get3A_314 : i32 to index
        %get3A_316 = arith.index_cast %scan3A_226 : i32 to index
        %get3A_317 = arith.constant 32 : index
        %get3A_318 = tpu.vector_load %arg12[%get3A_315, %get3A_316, %get3A_317] {strides = array<i32>} : memref<6x16x128xf32, #tpu.memory_space<vmem>>, vector<16xf32>,
        %add3A_319 = arith.addf %add3A_313, %get3A_318 : vector<16xf32>
        %get3A_320 = arith.constant 3 : i32
        %get3A_321 = arith.index_cast %get3A_320 : i32 to index
        %get3A_322 = arith.index_cast %scan3A_226 : i32 to index
        %get3A_323 = arith.constant 32 : index
        %get3A_324 = tpu.vector_load %arg12[%get3A_321, %get3A_322, %get3A_323] {strides = array<i32>} : memref<6x16x128xf32, #tpu.memory_space<vmem>>, vector<16xf32>,
        %add3A_325 = arith.addf %add3A_319, %get3A_324 : vector<16xf32>
        %get3A_326 = arith.constant 4 : i32
        %get3A_327 = arith.index_cast %get3A_326 : i32 to index
        %get3A_328 = arith.index_cast %scan3A_226 : i32 to index
        %get3A_329 = arith.constant 32 : index
        %get3A_330 = tpu.vector_load %arg12[%get3A_327, %get3A_328, %get3A_329] {strides = array<i32>} : memref<6x16x128xf32, #tpu.memory_space<vmem>>, vector<16xf32>,
        %add3A_331 = arith.addf %add3A_325, %get3A_330 : vector<16xf32>
        %get3A_332 = arith.constant 5 : i32
        %get3A_333 = arith.index_cast %get3A_332 : i32 to index
        %get3A_334 = arith.index_cast %scan3A_226 : i32 to index
        %get3A_335 = arith.constant 32 : index
        %get3A_336 = tpu.vector_load %arg12[%get3A_333, %get3A_334, %get3A_335] {strides = array<i32>} : memref<6x16x128xf32, #tpu.memory_space<vmem>>, vector<16xf32>,
        %add3A_337 = arith.addf %add3A_331, %get3A_336 : vector<16xf32>
        %swap3A_338 = arith.index_cast %scan3A_226 : i32 to index
        %swap3A_339 = arith.constant 32 : index
        %swap3A_340 = tpu.vector_load %arg13[%swap3A_338, %swap3A_339] {strides = array<i32>} : memref<16x128xf32, #tpu.memory_space<vmem>>, vector<16xf32>,
        tpu.vector_store %arg13[%swap3A_338, %swap3A_339], %add3A_337 {strides = array<i32>} : memref<16x128xf32, #tpu.memory_space<vmem>>, vector<16xf32>,
        %get3A_341 = arith.constant 0 : i32
        %get3A_342 = arith.index_cast %get3A_341 : i32 to index
        %get3A_343 = arith.index_cast %scan3A_226 : i32 to index
        %get3A_344 = arith.constant 48 : index
        %get3A_345 = tpu.vector_load %arg12[%get3A_342, %get3A_343, %get3A_344] {strides = array<i32>} : memref<6x16x128xf32, #tpu.memory_space<vmem>>, vector<16xf32>,
        %get3A_346 = arith.constant 1 : i32
        %get3A_347 = arith.index_cast %get3A_346 : i32 to index
        %get3A_348 = arith.index_cast %scan3A_226 : i32 to index
        %get3A_349 = arith.constant 48 : index
        %get3A_350 = tpu.vector_load %arg12[%get3A_347, %get3A_348, %get3A_349] {strides = array<i32>} : memref<6x16x128xf32, #tpu.memory_space<vmem>>, vector<16xf32>,
        %add3A_351 = arith.addf %get3A_345, %get3A_350 : vector<16xf32>
        %get3A_352 = arith.constant 2 : i32
        %get3A_353 = arith.index_cast %get3A_352 : i32 to index
        %get3A_354 = arith.index_cast %scan3A_226 : i32 to index
        %get3A_355 = arith.constant 48 : index
        %get3A_356 = tpu.vector_load %arg12[%get3A_353, %get3A_354, %get3A_355] {strides = array<i32>} : memref<6x16x128xf32, #tpu.memory_space<vmem>>, vector<16xf32>,
        %add3A_357 = arith.addf %add3A_351, %get3A_356 : vector<16xf32>
        %get3A_358 = arith.constant 3 : i32
        %get3A_359 = arith.index_cast %get3A_358 : i32 to index
        %get3A_360 = arith.index_cast %scan3A_226 : i32 to index
        %get3A_361 = arith.constant 48 : index
        %get3A_362 = tpu.vector_load %arg12[%get3A_359, %get3A_360, %get3A_361] {strides = array<i32>} : memref<6x16x128xf32, #tpu.memory_space<vmem>>, vector<16xf32>,
        %add3A_363 = arith.addf %add3A_357, %get3A_362 : vector<16xf32>
        %get3A_364 = arith.constant 4 : i32
        %get3A_365 = arith.index_cast %get3A_364 : i32 to index
        %get3A_366 = arith.index_cast %scan3A_226 : i32 to index
        %get3A_367 = arith.constant 48 : index
        %get3A_368 = tpu.vector_load %arg12[%get3A_365, %get3A_366, %get3A_367] {strides = array<i32>} : memref<6x16x128xf32, #tpu.memory_space<vmem>>, vector<16xf32>,
        %add3A_369 = arith.addf %add3A_363, %get3A_368 : vector<16xf32>
        %get3A_370 = arith.constant 5 : i32
        %get3A_371 = arith.index_cast %get3A_370 : i32 to index
        %get3A_372 = arith.index_cast %scan3A_226 : i32 to index
        %get3A_373 = arith.constant 48 : index
        %get3A_374 = tpu.vector_load %arg12[%get3A_371, %get3A_372, %get3A_373] {strides = array<i32>} : memref<6x16x128xf32, #tpu.memory_space<vmem>>, vector<16xf32>,
        %add3A_375 = arith.addf %add3A_369, %get3A_374 : vector<16xf32>
        %swap3A_376 = arith.index_cast %scan3A_226 : i32 to index
        %swap3A_377 = arith.constant 48 : index
        %swap3A_378 = tpu.vector_load %arg13[%swap3A_376, %swap3A_377] {strides = array<i32>} : memref<16x128xf32, #tpu.memory_space<vmem>>, vector<16xf32>,
        tpu.vector_store %arg13[%swap3A_376, %swap3A_377], %add3A_375 {strides = array<i32>} : memref<16x128xf32, #tpu.memory_space<vmem>>, vector<16xf32>,
        %get3A_379 = arith.constant 0 : i32
        %get3A_380 = arith.index_cast %get3A_379 : i32 to index
        %get3A_381 = arith.index_cast %scan3A_226 : i32 to index
        %get3A_382 = arith.constant 64 : index
        %get3A_383 = tpu.vector_load %arg12[%get3A_380, %get3A_381, %get3A_382] {strides = array<i32>} : memref<6x16x128xf32, #tpu.memory_space<vmem>>, vector<16xf32>,
        %get3A_384 = arith.constant 1 : i32
        %get3A_385 = arith.index_cast %get3A_384 : i32 to index
        %get3A_386 = arith.index_cast %scan3A_226 : i32 to index
        %get3A_387 = arith.constant 64 : index
        %get3A_388 = tpu.vector_load %arg12[%get3A_385, %get3A_386, %get3A_387] {strides = array<i32>} : memref<6x16x128xf32, #tpu.memory_space<vmem>>, vector<16xf32>,
        %add3A_389 = arith.addf %get3A_383, %get3A_388 : vector<16xf32>
        %get3A_390 = arith.constant 2 : i32
        %get3A_391 = arith.index_cast %get3A_390 : i32 to index
        %get3A_392 = arith.index_cast %scan3A_226 : i32 to index
        %get3A_393 = arith.constant 64 : index
        %get3A_394 = tpu.vector_load %arg12[%get3A_391, %get3A_392, %get3A_393] {strides = array<i32>} : memref<6x16x128xf32, #tpu.memory_space<vmem>>, vector<16xf32>,
        %add3A_395 = arith.addf %add3A_389, %get3A_394 : vector<16xf32>
        %get3A_396 = arith.constant 3 : i32
        %get3A_397 = arith.index_cast %get3A_396 : i32 to index
        %get3A_398 = arith.index_cast %scan3A_226 : i32 to index
        %get3A_399 = arith.constant 64 : index
        %get3A_400 = tpu.vector_load %arg12[%get3A_397, %get3A_398, %get3A_399] {strides = array<i32>} : memref<6x16x128xf32, #tpu.memory_space<vmem>>, vector<16xf32>,
        %add3A_401 = arith.addf %add3A_395, %get3A_400 : vector<16xf32>
        %get3A_402 = arith.constant 4 : i32
        %get3A_403 = arith.index_cast %get3A_402 : i32 to index
        %get3A_404 = arith.index_cast %scan3A_226 : i32 to index
        %get3A_405 = arith.constant 64 : index
        %get3A_406 = tpu.vector_load %arg12[%get3A_403, %get3A_404, %get3A_405] {strides = array<i32>} : memref<6x16x128xf32, #tpu.memory_space<vmem>>, vector<16xf32>,
        %add3A_407 = arith.addf %add3A_401, %get3A_406 : vector<16xf32>
        %get3A_408 = arith.constant 5 : i32
        %get3A_409 = arith.index_cast %get3A_408 : i32 to index
        %get3A_410 = arith.index_cast %scan3A_226 : i32 to index
        %get3A_411 = arith.constant 64 : index
        %get3A_412 = tpu.vector_load %arg12[%get3A_409, %get3A_410, %get3A_411] {strides = array<i32>} : memref<6x16x128xf32, #tpu.memory_space<vmem>>, vector<16xf32>,
        %add3A_413 = arith.addf %add3A_407, %get3A_412 : vector<16xf32>
        %swap3A_414 = arith.index_cast %scan3A_226 : i32 to index
        %swap3A_415 = arith.constant 64 : index
        %swap3A_416 = tpu.vector_load %arg13[%swap3A_414, %swap3A_415] {strides = array<i32>} : memref<16x128xf32, #tpu.memory_space<vmem>>, vector<16xf32>,
        tpu.vector_store %arg13[%swap3A_414, %swap3A_415], %add3A_413 {strides = array<i32>} : memref<16x128xf32, #tpu.memory_space<vmem>>, vector<16xf32>,
        %get3A_417 = arith.constant 0 : i32
        %get3A_418 = arith.index_cast %get3A_417 : i32 to index
        %get3A_419 = arith.index_cast %scan3A_226 : i32 to index
        %get3A_420 = arith.constant 80 : index
        %get3A_421 = tpu.vector_load %arg12[%get3A_418, %get3A_419, %get3A_420] {strides = array<i32>} : memref<6x16x128xf32, #tpu.memory_space<vmem>>, vector<16xf32>,
        %get3A_422 = arith.constant 1 : i32
        %get3A_423 = arith.index_cast %get3A_422 : i32 to index
        %get3A_424 = arith.index_cast %scan3A_226 : i32 to index
        %get3A_425 = arith.constant 80 : index
        %get3A_426 = tpu.vector_load %arg12[%get3A_423, %get3A_424, %get3A_425] {strides = array<i32>} : memref<6x16x128xf32, #tpu.memory_space<vmem>>, vector<16xf32>,
        %add3A_427 = arith.addf %get3A_421, %get3A_426 : vector<16xf32>
        %get3A_428 = arith.constant 2 : i32
        %get3A_429 = arith.index_cast %get3A_428 : i32 to index
        %get3A_430 = arith.index_cast %scan3A_226 : i32 to index
        %get3A_431 = arith.constant 80 : index
        %get3A_432 = tpu.vector_load %arg12[%get3A_429, %get3A_430, %get3A_431] {strides = array<i32>} : memref<6x16x128xf32, #tpu.memory_space<vmem>>, vector<16xf32>,
        %add3A_433 = arith.addf %add3A_427, %get3A_432 : vector<16xf32>
        %get3A_434 = arith.constant 3 : i32
        %get3A_435 = arith.index_cast %get3A_434 : i32 to index
        %get3A_436 = arith.index_cast %scan3A_226 : i32 to index
        %get3A_437 = arith.constant 80 : index
        %get3A_438 = tpu.vector_load %arg12[%get3A_435, %get3A_436, %get3A_437] {strides = array<i32>} : memref<6x16x128xf32, #tpu.memory_space<vmem>>, vector<16xf32>,
        %add3A_439 = arith.addf %add3A_433, %get3A_438 : vector<16xf32>
        %get3A_440 = arith.constant 4 : i32
        %get3A_441 = arith.index_cast %get3A_440 : i32 to index
        %get3A_442 = arith.index_cast %scan3A_226 : i32 to index
        %get3A_443 = arith.constant 80 : index
        %get3A_444 = tpu.vector_load %arg12[%get3A_441, %get3A_442, %get3A_443] {strides = array<i32>} : memref<6x16x128xf32, #tpu.memory_space<vmem>>, vector<16xf32>,
        %add3A_445 = arith.addf %add3A_439, %get3A_444 : vector<16xf32>
        %get3A_446 = arith.constant 5 : i32
        %get3A_447 = arith.index_cast %get3A_446 : i32 to index
        %get3A_448 = arith.index_cast %scan3A_226 : i32 to index
        %get3A_449 = arith.constant 80 : index
        %get3A_450 = tpu.vector_load %arg12[%get3A_447, %get3A_448, %get3A_449] {strides = array<i32>} : memref<6x16x128xf32, #tpu.memory_space<vmem>>, vector<16xf32>,
        %add3A_451 = arith.addf %add3A_445, %get3A_450 : vector<16xf32>
        %swap3A_452 = arith.index_cast %scan3A_226 : i32 to index
        %swap3A_453 = arith.constant 80 : index
        %swap3A_454 = tpu.vector_load %arg13[%swap3A_452, %swap3A_453] {strides = array<i32>} : memref<16x128xf32, #tpu.memory_space<vmem>>, vector<16xf32>,
        tpu.vector_store %arg13[%swap3A_452, %swap3A_453], %add3A_451 {strides = array<i32>} : memref<16x128xf32, #tpu.memory_space<vmem>>, vector<16xf32>,
        %get3A_455 = arith.constant 0 : i32
        %get3A_456 = arith.index_cast %get3A_455 : i32 to index
        %get3A_457 = arith.index_cast %scan3A_226 : i32 to index
        %get3A_458 = arith.constant 96 : index
        %get3A_459 = tpu.vector_load %arg12[%get3A_456, %get3A_457, %get3A_458] {strides = array<i32>} : memref<6x16x128xf32, #tpu.memory_space<vmem>>, vector<16xf32>,
        %get3A_460 = arith.constant 1 : i32
        %get3A_461 = arith.index_cast %get3A_460 : i32 to index
        %get3A_462 = arith.index_cast %scan3A_226 : i32 to index
        %get3A_463 = arith.constant 96 : index
        %get3A_464 = tpu.vector_load %arg12[%get3A_461, %get3A_462, %get3A_463] {strides = array<i32>} : memref<6x16x128xf32, #tpu.memory_space<vmem>>, vector<16xf32>,
        %add3A_465 = arith.addf %get3A_459, %get3A_464 : vector<16xf32>
        %get3A_466 = arith.constant 2 : i32
        %get3A_467 = arith.index_cast %get3A_466 : i32 to index
        %get3A_468 = arith.index_cast %scan3A_226 : i32 to index
        %get3A_469 = arith.constant 96 : index
        %get3A_470 = tpu.vector_load %arg12[%get3A_467, %get3A_468, %get3A_469] {strides = array<i32>} : memref<6x16x128xf32, #tpu.memory_space<vmem>>, vector<16xf32>,
        %add3A_471 = arith.addf %add3A_465, %get3A_470 : vector<16xf32>
        %get3A_472 = arith.constant 3 : i32
        %get3A_473 = arith.index_cast %get3A_472 : i32 to index
        %get3A_474 = arith.index_cast %scan3A_226 : i32 to index
        %get3A_475 = arith.constant 96 : index
        %get3A_476 = tpu.vector_load %arg12[%get3A_473, %get3A_474, %get3A_475] {strides = array<i32>} : memref<6x16x128xf32, #tpu.memory_space<vmem>>, vector<16xf32>,
        %add3A_477 = arith.addf %add3A_471, %get3A_476 : vector<16xf32>
        %get3A_478 = arith.constant 4 : i32
        %get3A_479 = arith.index_cast %get3A_478 : i32 to index
        %get3A_480 = arith.index_cast %scan3A_226 : i32 to index
        %get3A_481 = arith.constant 96 : index
        %get3A_482 = tpu.vector_load %arg12[%get3A_479, %get3A_480, %get3A_481] {strides = array<i32>} : memref<6x16x128xf32, #tpu.memory_space<vmem>>, vector<16xf32>,
        %add3A_483 = arith.addf %add3A_477, %get3A_482 : vector<16xf32>
        %get3A_484 = arith.constant 5 : i32
        %get3A_485 = arith.index_cast %get3A_484 : i32 to index
        %get3A_486 = arith.index_cast %scan3A_226 : i32 to index
        %get3A_487 = arith.constant 96 : index
        %get3A_488 = tpu.vector_load %arg12[%get3A_485, %get3A_486, %get3A_487] {strides = array<i32>} : memref<6x16x128xf32, #tpu.memory_space<vmem>>, vector<16xf32>,
        %add3A_489 = arith.addf %add3A_483, %get3A_488 : vector<16xf32>
        %swap3A_490 = arith.index_cast %scan3A_226 : i32 to index
        %swap3A_491 = arith.constant 96 : index
        %swap3A_492 = tpu.vector_load %arg13[%swap3A_490, %swap3A_491] {strides = array<i32>} : memref<16x128xf32, #tpu.memory_space<vmem>>, vector<16xf32>,
        tpu.vector_store %arg13[%swap3A_490, %swap3A_491], %add3A_489 {strides = array<i32>} : memref<16x128xf32, #tpu.memory_space<vmem>>, vector<16xf32>,
        %get3A_493 = arith.constant 0 : i32
        %get3A_494 = arith.index_cast %get3A_493 : i32 to index
        %get3A_495 = arith.index_cast %scan3A_226 : i32 to index
        %get3A_496 = arith.constant 112 : index
        %get3A_497 = tpu.vector_load %arg12[%get3A_494, %get3A_495, %get3A_496] {strides = array<i32>} : memref<6x16x128xf32, #tpu.memory_space<vmem>>, vector<16xf32>,
        %get3A_498 = arith.constant 1 : i32
        %get3A_499 = arith.index_cast %get3A_498 : i32 to index
        %get3A_500 = arith.index_cast %scan3A_226 : i32 to index
        %get3A_501 = arith.constant 112 : index
        %get3A_502 = tpu.vector_load %arg12[%get3A_499, %get3A_500, %get3A_501] {strides = array<i32>} : memref<6x16x128xf32, #tpu.memory_space<vmem>>, vector<16xf32>,
        %add3A_503 = arith.addf %get3A_497, %get3A_502 : vector<16xf32>
        %get3A_504 = arith.constant 2 : i32
        %get3A_505 = arith.index_cast %get3A_504 : i32 to index
        %get3A_506 = arith.index_cast %scan3A_226 : i32 to index
        %get3A_507 = arith.constant 112 : index
        %get3A_508 = tpu.vector_load %arg12[%get3A_505, %get3A_506, %get3A_507] {strides = array<i32>} : memref<6x16x128xf32, #tpu.memory_space<vmem>>, vector<16xf32>,
        %add3A_509 = arith.addf %add3A_503, %get3A_508 : vector<16xf32>
        %get3A_510 = arith.constant 3 : i32
        %get3A_511 = arith.index_cast %get3A_510 : i32 to index
        %get3A_512 = arith.index_cast %scan3A_226 : i32 to index
        %get3A_513 = arith.constant 112 : index
        %get3A_514 = tpu.vector_load %arg12[%get3A_511, %get3A_512, %get3A_513] {strides = array<i32>} : memref<6x16x128xf32, #tpu.memory_space<vmem>>, vector<16xf32>,
        %add3A_515 = arith.addf %add3A_509, %get3A_514 : vector<16xf32>
        %get3A_516 = arith.constant 4 : i32
        %get3A_517 = arith.index_cast %get3A_516 : i32 to index
        %get3A_518 = arith.index_cast %scan3A_226 : i32 to index
        %get3A_519 = arith.constant 112 : index
        %get3A_520 = tpu.vector_load %arg12[%get3A_517, %get3A_518, %get3A_519] {strides = array<i32>} : memref<6x16x128xf32, #tpu.memory_space<vmem>>, vector<16xf32>,
        %add3A_521 = arith.addf %add3A_515, %get3A_520 : vector<16xf32>
        %get3A_522 = arith.constant 5 : i32
        %get3A_523 = arith.index_cast %get3A_522 : i32 to index
        %get3A_524 = arith.index_cast %scan3A_226 : i32 to index
        %get3A_525 = arith.constant 112 : index
        %get3A_526 = tpu.vector_load %arg12[%get3A_523, %get3A_524, %get3A_525] {strides = array<i32>} : memref<6x16x128xf32, #tpu.memory_space<vmem>>, vector<16xf32>,
        %add3A_527 = arith.addf %add3A_521, %get3A_526 : vector<16xf32>
        %swap3A_528 = arith.index_cast %scan3A_226 : i32 to index
        %swap3A_529 = arith.constant 112 : index
        %swap3A_530 = tpu.vector_load %arg13[%swap3A_528, %swap3A_529] {strides = array<i32>} : memref<16x128xf32, #tpu.memory_space<vmem>>, vector<16xf32>,
        tpu.vector_store %arg13[%swap3A_528, %swap3A_529], %add3A_527 {strides = array<i32>} : memref<16x128xf32, #tpu.memory_space<vmem>>, vector<16xf32>,
        %scan3A_531 = arith.constant 0 : i32
        scf.yield %scan3A_531 : i32
      }
      %scan3A_216 = arith.constant 16 : i32
      %lt3A_217 = arith.constant 8 : i32
      %lt3A_218 = arith.cmpi slt, %arg1, %lt3A_217 : i32
      %convert_element_type3A_219 = arith.extui %lt3A_218 : i1 to i32
      %cond3A_220 = arith.constant 0 : i32
      %cond3A_221 = arith.cmpi ne, %convert_element_type3A_219, %cond3A_220 : i32
      scf.if %cond3A_221 {
        %mul3A_226 = arith.constant 16 : i32
        %mul3A_227 = arith.muli %arg1, %mul3A_226 : i32
        %multiple_of3A = tpu.assume_multiple %mul3A_227, 8 : i32
        "tpu.region"() ({
          %run_scoped3A = tpu.sem_alloc : memref<!tpu.dma_semaphore, #tpu.memory_space<semaphore_mem>>
          %dma_start3A_228 = arith.constant 0 : i32
          %dma_start3A_229 = tpu.memref_slice %arg9[%multiple_of3A, %dma_start3A_228] : memref<132x128xf32, #tpu.memory_space<hbm>> -> memref<16x128xf32, #tpu.memory_space<hbm>>
          %dma_start3A_230 = arith.constant 0 : i32
          %dma_start3A_231 = tpu.memref_slice %arg9[%multiple_of3A, %dma_start3A_230] : memref<132x128xf32, #tpu.memory_space<hbm>> -> memref<16x128xf32, #tpu.memory_space<hbm>>
          tpu.enqueue_dma source(%arg13 : memref<16x128xf32, #tpu.memory_space<vmem>>) target(%dma_start3A_231 : memref<16x128xf32, #tpu.memory_space<hbm>>) target_semaphore(%run_scoped3A : memref<!tpu.dma_semaphore, #tpu.memory_space<semaphore_mem>>)
          %dma_wait3A_232 = arith.constant 0 : i32
          %dma_wait3A_233 = tpu.memref_slice %arg9[%multiple_of3A, %dma_wait3A_232] : memref<132x128xf32, #tpu.memory_space<hbm>> -> memref<16x128xf32, #tpu.memory_space<hbm>>
          %dma_wait3A_234 = arith.constant 0 : i32
          %dma_wait3A_235 = tpu.memref_slice %arg9[%multiple_of3A, %dma_wait3A_234] : memref<132x128xf32, #tpu.memory_space<hbm>> -> memref<16x128xf32, #tpu.memory_space<hbm>>
          tpu.wait_dma2 semaphore(%run_scoped3A : memref<!tpu.dma_semaphore, #tpu.memory_space<semaphore_mem>>) src(%arg13 : memref<16x128xf32, #tpu.memory_space<vmem>>) dst(%dma_wait3A_235 : memref<16x128xf32, #tpu.memory_space<hbm>>)
          tpu.yield
        }) : () -> ()
      } else {
      }
      %eq3A = arith.constant 8 : i32
      %eq3A_222 = arith.cmpi eq, %arg1, %eq3A : i32
      %convert_element_type3A_223 = arith.extui %eq3A_222 : i1 to i32
      %cond3A_224 = arith.constant 0 : i32
      %cond3A_225 = arith.cmpi ne, %convert_element_type3A_223, %cond3A_224 : i32
      scf.if %cond3A_225 {
        "tpu.region"() ({
          %run_scoped3A = tpu.sem_alloc : memref<!tpu.dma_semaphore, #tpu.memory_space<semaphore_mem>>
          %dma_start3A_226 = arith.constant 12 : i32
          %dma_start3A_227 = arith.constant 0 : i32
          %dma_start3A_228 = tpu.memref_slice %arg13[%dma_start3A_226, %dma_start3A_227] : memref<16x128xf32, #tpu.memory_space<vmem>> -> memref<4x128xf32, #tpu.memory_space<vmem>>
          %dma_start3A_229 = arith.constant 128 : i32
          %dma_start3A_230 = arith.constant 0 : i32
          %dma_start3A_231 = tpu.memref_slice %arg9[%dma_start3A_229, %dma_start3A_230] : memref<132x128xf32, #tpu.memory_space<hbm>> -> memref<4x128xf32, #tpu.memory_space<hbm>>
          %dma_start3A_232 = arith.constant 128 : i32
          %dma_start3A_233 = arith.constant 0 : i32
          %dma_start3A_234 = tpu.memref_slice %arg9[%dma_start3A_232, %dma_start3A_233] : memref<132x128xf32, #tpu.memory_space<hbm>> -> memref<4x128xf32, #tpu.memory_space<hbm>>
          %dma_start3A_235 = arith.constant 12 : i32
          %dma_start3A_236 = arith.constant 0 : i32
          %dma_start3A_237 = tpu.memref_slice %arg13[%dma_start3A_235, %dma_start3A_236] : memref<16x128xf32, #tpu.memory_space<vmem>> -> memref<4x128xf32, #tpu.memory_space<vmem>>
          tpu.enqueue_dma source(%dma_start3A_237 : memref<4x128xf32, #tpu.memory_space<vmem>>) target(%dma_start3A_234 : memref<4x128xf32, #tpu.memory_space<hbm>>) target_semaphore(%run_scoped3A : memref<!tpu.dma_semaphore, #tpu.memory_space<semaphore_mem>>)
          %dma_wait3A_238 = arith.constant 12 : i32
          %dma_wait3A_239 = arith.constant 0 : i32
          %dma_wait3A_240 = tpu.memref_slice %arg13[%dma_wait3A_238, %dma_wait3A_239] : memref<16x128xf32, #tpu.memory_space<vmem>> -> memref<4x128xf32, #tpu.memory_space<vmem>>
          %dma_wait3A_241 = arith.constant 128 : i32
          %dma_wait3A_242 = arith.constant 0 : i32
          %dma_wait3A_243 = tpu.memref_slice %arg9[%dma_wait3A_241, %dma_wait3A_242] : memref<132x128xf32, #tpu.memory_space<hbm>> -> memref<4x128xf32, #tpu.memory_space<hbm>>
          %dma_wait3A_244 = arith.constant 128 : i32
          %dma_wait3A_245 = arith.constant 0 : i32
          %dma_wait3A_246 = tpu.memref_slice %arg9[%dma_wait3A_244, %dma_wait3A_245] : memref<132x128xf32, #tpu.memory_space<hbm>> -> memref<4x128xf32, #tpu.memory_space<hbm>>
          %dma_wait3A_247 = arith.constant 12 : i32
          %dma_wait3A_248 = arith.constant 0 : i32
          %dma_wait3A_249 = tpu.memref_slice %arg13[%dma_wait3A_247, %dma_wait3A_248] : memref<16x128xf32, #tpu.memory_space<vmem>> -> memref<4x128xf32, #tpu.memory_space<vmem>>
          tpu.wait_dma2 semaphore(%run_scoped3A : memref<!tpu.dma_semaphore, #tpu.memory_space<semaphore_mem>>) src(%dma_wait3A_249 : memref<4x128xf32, #tpu.memory_space<vmem>>) dst(%dma_wait3A_246 : memref<4x128xf32, #tpu.memory_space<hbm>>)
          tpu.yield
        }) : () -> ()
      } else {
      }
    } else {
    }
    return
  }
}

</mosaic_0001>

<sc_bundles>
// kernel: _sc_embed.3.cloned.1.call-start
scs
__scs_entry_jumppad:
0x0: {  	(pc) =	sbr.rel $0x88, $3  }
0x1: {  	(tag) =	ssettag $0x0;
	lr =	simm.s32 $0x1  }
0x2: {  	[smem:$0x3F9A] =	sst lr;
	_ =	strace $0xD0000000  }
0x3: {  	_ = 	snop  }
0x4: {  	_ = 	snop  }
0x5: {  	_ = 	snop  }
0x6: {  	_ = 	snop  }
0x7: {  	_ = 	snop  }
__scs_overlays_trampoline_lowered:
0x8: {  	[smem:$0x3FA9] =	sst s0  }
0x9: {  	[smem:$0x3FAA] =	sst s1  }
0xa: {  	[smem:$0x3FAB] =	sst s2  }
0xb: {  	[smem:$0x3FAC] =	sst s3  }
0xc: {  	[smem:$0x3FAD] =	sst s4  }
0xd: {  	[smem:$0x3FAE] =	sst s5  }
0xe: {  	[smem:$0x3FAF] =	sst s6  }
0xf: {  	[smem:$0x3FB0] =	sst s7  }
0x10: {  	[smem:$0x3FB1] =	sst s8  }
0x11: {  	[smem:$0x3FB2] =	sst s9;
	s0 =	simm.s32 @!p0 $0x0  }
0x12: {  	s1 =	sld [smem:$0x3F98];
	s0 =	simm.s32 @p0 $0x1  }
0x13: {  	[smem:$0x3FB3] =	sst s0;
	s0 =	simm.s32 @!p1 $0x0  }
0x14: {  	s2 =	sld [smem:$0x3F97];
	s0 =	simm.s32 @p1 $0x1  }
0x15: {  	[smem:$0x3FB4] =	sst s0;
	s0 =	simm.s32 @!p2 $0x0  }
0x16: {  	s3 =	sld [smem:$0x3FDB];
	s0 =	simm.s32 @p2 $0x1  }
0x17: {  	s4 =	simm.s32 $0x1BF5;
	[smem:$0x3FB6] =	sst s0  }
0x18: {  	s0 =	sld [smem:$0x3F99];
	_ =	swait.ge [sflag:s4], $0x0  }
0x19: {  	s7 =	sld [smem:$0x3F9A]  }
0x1a: {  	s8 =	sadd.s32 $0xFFFFE003, lr  }
0x1b: {  	s9 =	sadd.s32 $0xFFFFFEF7, lr;
	s5 =	simm.s32 $0xFFFFFFFF;
	p2 =	slt.u32 s8, $0xFFFFF086  }
0x1c: {  	p1 =	slt.u32 s9, $0xF7A;
	s5 =	simm.s32 @!p2 $0x0  }
0x1d: {  	s5 =	simm.s32 @p1 $0x1;
	p0 =	seq.s32 s7, s2  }
0x1e: {  	s7 =	smul.u32 @!p0 $0xF7A, s2;
	p2 =	seq.s32 @!p0 s5, $0x0  }
0x1f: {  	s9 =	smul.u32 $0xF7A, s1;
	s8 =	simm.s32 @!p0 $0x1BF5;
	p2 =	por !p2, p0  }
0x20: {  	[sflag:s8] =	ssyncset.s32 @!p0 $0xFFFFF086;
	s6 =	sadd.s32 @!p0 s3, s7;
	s7 =	simm.s32 @!p0 $0x108  }
0x21: {  	s3 =	sadd.s32 s3, s9;
	s6 =	sadd.s32 @!p0 $0x88, s6;
	s7 =	simm.s32 @p2 $0x1082  }
0x22: {  	[simem:s7], [sflag:s8] =	dma.local @!p0 [hbm:s6], $0xF7A  }
0x23: {  	s9 =	sor.u32 $0xD0000000, s2;
	s6 =	simm.s32 $0x108;
	_ =	swait.ge @!p0 [sflag:s8], $0x0  }
0x24: {  	s3 =	sadd.s32 $0x88, s3;
	s6 =	simm.s32 @!p1 $0x1082;
	[sflag:s4] =	ssyncset.s32 $0xFFFFF086  }
0x25: {  	[simem:s6], [sflag:s4] =	dma.local [hbm:s3], $0xF7A  }
0x26: {  	[smem:$0x3F9A] =	sst s1;
	(tag) =	ssettag s2;
	_ =	strace s9  }
0x27: {  	s1 =	sld [smem:$0x3FAA]  }
0x28: {  	s2 =	sld [smem:$0x3FAB]  }
0x29: {  	s4 =	sld [smem:$0x3FAD]  }
0x2a: {  	p0 =	seq.s32 s5, $0x0;
	s5 =	sld [smem:$0x3FAE]  }
0x2b: {  	s6 =	sld [smem:$0x3FAF]  }
0x2c: {  	s7 =	sld [smem:$0x3FB0]  }
0x2d: {  	s3 =	simm.s32 $0x108;
	s8 =	sld [smem:$0x3FB1]  }
0x2e: {  	s3 =	simm.s32 @!p0 $0x1082;
	s9 =	sld [smem:$0x3FB2]  }
0x2f: {  	lr =	sadd.s32 s0, s3;
	s0 =	sld [smem:$0x3FA9]  }
0x30: {  	s3 =	sld [smem:$0x3FAC]  }
0x31: {  	[smem:$0x3FB5] =	sst s10  }
0x32: {  	s10 =	sld [smem:$0x3FB3];
	_ =	sdelay $0x3  }
0x33: {  	p0 =	seq.s32 s10, $0x1;
	s10 =	sld [smem:$0x3FB5];
	_ =	sdelay $0x3  }
0x34: {  	[smem:$0x3FB5] =	sst s10  }
0x35: {  	s10 =	sld [smem:$0x3FB4];
	_ =	sdelay $0x3  }
0x36: {  	p1 =	seq.s32 s10, $0x1;
	s10 =	sld [smem:$0x3FB5];
	_ =	sdelay $0x3  }
0x37: {  	[smem:$0x3FB5] =	sst s10  }
0x38: {  	s10 =	sld [smem:$0x3FB6]  }
0x39: {  	_ = 	snop;
	(pc) =	sbr.ind lr, $3  }
0x3a: {  	_ = 	snop  }
0x3b: {  	_ = 	snop  }
0x3c: {  	p2 =	seq.s32 s10, $0x1;
	s10 =	sld [smem:$0x3FB5]  }
0x3d: {  	_ =	shalt  }
0x3e: {  	_ =	shalt  }
0x3f: {  	_ =	shalt  }
0x40: {  	_ =	shalt  }
0x41: {  	_ =	shalt  }
0x42: {  	_ =	shalt  }
0x43: {  	_ =	shalt  }
0x44: {  	_ =	shalt  }
0x45: {  	_ =	shalt  }
0x46: {  	_ =	shalt  }
0x47: {  	_ =	shalt  }
0x48: {  	_ =	shalt  }
0x49: {  	_ =	shalt  }
0x4a: {  	_ =	shalt  }
0x4b: {  	_ =	shalt  }
0x4c: {  	_ =	shalt  }
0x4d: {  	_ =	shalt  }
0x4e: {  	_ =	shalt  }
0x4f: {  	_ =	shalt  }
0x50: {  	_ =	shalt  }
0x51: {  	_ =	shalt  }
0x52: {  	_ =	shalt  }
0x53: {  	_ =	shalt  }
0x54: {  	_ =	shalt  }
0x55: {  	_ =	shalt  }
0x56: {  	_ =	shalt  }
0x57: {  	_ =	shalt  }
0x58: {  	_ =	shalt  }
0x59: {  	_ =	shalt  }
0x5a: {  	_ =	shalt  }
0x5b: {  	_ =	shalt  }
0x5c: {  	_ =	shalt  }
0x5d: {  	_ =	shalt  }
0x5e: {  	_ =	shalt  }
0x5f: {  	_ =	shalt  }
0x60: {  	_ =	shalt  }
0x61: {  	_ =	shalt  }
0x62: {  	_ =	shalt  }
0x63: {  	_ =	shalt  }
0x64: {  	_ =	shalt  }
0x65: {  	_ =	shalt  }
0x66: {  	_ =	shalt  }
0x67: {  	_ =	shalt  }
0x68: {  	_ =	shalt  }
0x69: {  	_ =	shalt  }
0x6a: {  	_ =	shalt  }
0x6b: {  	_ =	shalt  }
0x6c: {  	_ =	shalt  }
0x6d: {  	_ =	shalt  }
0x6e: {  	_ =	shalt  }
0x6f: {  	_ =	shalt  }
0x70: {  	_ =	shalt  }
0x71: {  	_ =	shalt  }
0x72: {  	_ =	shalt  }
0x73: {  	_ =	shalt  }
0x74: {  	_ =	shalt  }
0x75: {  	_ =	shalt  }
0x76: {  	_ =	shalt  }
0x77: {  	_ =	shalt  }
0x78: {  	_ =	shalt  }
0x79: {  	_ =	shalt  }
0x7a: {  	_ =	shalt  }
0x7b: {  	_ =	shalt  }
0x7c: {  	_ =	shalt  }
0x7d: {  	_ =	shalt  }
0x7e: {  	_ =	shalt  }
0x7f: {  	_ =	shalt  }
0x80: {  	_ =	shalt  }
0x81: {  	_ =	shalt  }
0x82: {  	_ =	shalt  }
0x83: {  	_ =	shalt  }
0x84: {  	_ =	shalt  }
0x85: {  	_ =	shalt  }
0x86: {  	_ =	shalt  }
0x87: {  	_ =	shalt  }
.Lfunc_end0:
.L_simem_size_0:
called_computation_lowered:
.L_overlay_start_0:
0x88: {  	s0 =	sld [smem:$0x3FD9]  }
0x89: {  	s1 =	sld [smem:$0x3FFE];
	_ =	sdelay $0x3  }
0x8a: {  	s0 =	sadd.s32 s1, s0  }
0x8b: {  	[smem:$0x3FC1] =	sst s0  }
0x8c: {  	_ = 	snop  }
0x8d: {  	s0 =	sld [smem:$0x3FC9]  }
0x8e: {  	s17 =	sld [smem:$0x3FC8]  }
0x8f: {  	s2 =	sld [smem:$0x3FC7]  }
0x90: {  	s3 =	sld [smem:$0x3FC6]  }
0x91: {  	s4 =	sld [smem:$0x3FC5]  }
0x92: {  	s5 =	sld [smem:$0x3FC4]  }
0x93: {  	s6 =	sld [smem:$0x3FC3]  }
0x94: {  	s7 =	sld [smem:$0x3FD0];
	(tm) =	ssettm $0x1  }
0x95: {  	s8 =	sld [smem:$0x3FFB];
	_ =	sdelay $0x3  }
0x96: {  	_ =	strace s8  }
0x97: {  	s8 =	sld [smem:$0x3FFC];
	_ =	sdelay $0x3  }
0x98: {  	_ =	strace s8  }
0x99: {  	s8 =	sld [smem:$0x3FFD];
	_ =	sdelay $0x3  }
0x9a: {  	_ =	strace s8  }
0x9b: {  	_ =	strace $0x8FFFFFFF  }
0x9c: {  	s18 =	sld [smem:$0x3FDB];
	_ =	sdelay $0x1  }
0x9d: {  	s9 =	simm.s32 $_scs_section_size  }
0x9e: {  	s10 =	simm.s32 $_size__tile_overlayer_lowered;
	s11 =	simm.s32 $_tile_overlayer_lowered  }
0x9f: {  	s21 =	simm.s32 $0x1BFF;
	s20 =	sshll.u32 s11, $0x1;
	s8 =	sadd.s32 s9, s18  }
0xa0: {  	s12 =	simm.s32 $0x0;
	s19 =	sshll.u32 s10, $0x1;
	s10 =	sadd.s32 s20, s8  }
0xa1: {  	[timem:s12], [sflag:s21] =	dma.local [hbm:s10], s19  }
0xa2: {  	_ =	swait.ge [sflag:s21], s19  }
0xa3: {  	s9 =	ssub.s32 $0x0, s19;
	[sflag:s21] =	ssyncset.done $0x0  }
0xa4: {  	[sflag:s21] =	ssyncadd.s32 s9;
	_ =	sdelay $0x1  }
0xa5: {  	s22 =	simm.s32 $0x1B8B  }
0xa6: {  	_ =	swait.ge [sflag:s22], $0x1  }
0xa7: {  	[sflag:s22] =	ssyncset.done $0x0  }
0xa8: {  	s23 =	simm.s32 $0x1B8E;
	[sflag:s22] =	ssyncadd.s32 $0xFFFFFFFF  }
0xa9: {  	s24 =	simm.s32 $execute0_lowered;
	[smem:$0x3FD2] =	sst s23  }
0xaa: {  	s9 =	sshll.u32 s24, $0x1;
	_ =	strace $0x80000046;
	[dreg:$0x1] =	wrdreg $0xFFFFFFFF  }
0xab: {  	s25 =	simm.s32 $_size_execute0_lowered;
	s8 =	sadd.s32 s8, s9;
	[dreg:$0x0] =	wrdreg $0x0  }
0xac: {  	s9 =	sshll.u32 s25, $0x1;
	[dreg:$0x2] =	wrdreg s8  }
0xad: {  	[dreg:$0x3] =	wrdreg s9  }
0xae: {  	[dreg:$0x4] =	wrdreg $0xC0  }
0xaf: {  	_ =	task [dreg:s12], $0x5FFFF  }
0xb0: {  	[dreg:$0x1] =	wrdreg $0xFFFFFFFF  }
0xb1: {  	[dreg:$0x0] =	wrdreg $0x60  }
0xb2: {  	[dreg:$0x2] =	wrdreg s0  }
0xb3: {  	[dreg:$0x3] =	wrdreg s17  }
0xb4: {  	[dreg:$0x4] =	wrdreg s2  }
0xb5: {  	[dreg:$0x5] =	wrdreg s3  }
0xb6: {  	[dreg:$0x6] =	wrdreg s4  }
0xb7: {  	[dreg:$0x7] =	wrdreg s5  }
0xb8: {  	[dreg:$0x8] =	wrdreg s6  }
0xb9: {  	[dreg:$0x9] =	wrdreg s7  }
0xba: {  	[dreg:$0xa] =	wrdreg $0x9  }
0xbb: {  	_ =	task.clear_ibuf [dreg:s12], $0xBFFFF;
	_ =	strace $0x90000046  }
0xbc: {  	s26 =	simm.s32 $0x9;
	_ =	strace $0x80000048  }
0xbd: {  	_ =	swait.ge [sflag:s26], $0x1  }
0xbe: {  	[sflag:s26] =	ssyncadd.s32 $0xFFFFFFFF  }
0xbf: {  	_ =	strace $0x90000048  }
0xc0: {  	_ =	sfence  }
0xc1: {  	s28 =	sld [smem:$0x0];
	_ =	sdelay $0x1  }
0xc2: {  	s29 =	srdreg.scid  }
0xc3: {  	s30 =	sshll.u32 s29, $0xD;
	s31 =	sshrl.u32 s29, $0x2  }
0xc4: {  	s1 =	sand.u32 $0x1, s29;
	s2 =	sand.u32 $0x4000, s30;
	s0 =	sadd.s32 s31, s28  }
0xc5: {  	s1 =	sor.u32 s2, s1;
	s0 =	sshll.u32 s0, $0x11  }
0xc6: {  	s0 =	sor.u32 s0, s1  }
0xc7: {  	s0 =	sadd.s32 $0x8F2B, s0  }
0xc8: {  	[sflag:s0] =	ssyncadd.remote.s32 $0x1  }
0xc9: {  	_ =	sfence.sel $0xFFFF  }
0xca: {  	[dreg:$0x0] =	wrdreg $0xFFFFFFFF;
	(pc) =	sbr.abs _section_cstart, $3  }
0xcb: {  	[dreg:$0x1] =	wrdreg $0xFFFFFFFF  }
0xcc: {  	_ =	task.clear_ibuf [dreg:s12], $0x2FFFF;
	_ =	strace $0x9FFFFFFF  }
0xcd: {  	(tm) =	ssettm $0x7FFFFFFF  }
tec
execute0_lowered:
.L_overlay_start_1:
0x0: {  	(tag) =	ssettag $0x1  }
0x1: {  	s10 =	rddreg [dreg:$0x0]  }
0x2: {  	s8 =	rddreg [dreg:$0x1]  }
0x3: {  	s7 =	rddreg [dreg:$0x2]  }
0x4: {  	s6 =	rddreg [dreg:$0x3];
	s1 =	stileid.u32  }
0x5: {  	s5 =	rddreg [dreg:$0x4];
	p0 =	sgt.u32 s1, $0x8  }
.Ltmp0:
0x6: {  	s4 =	rddreg [dreg:$0x5];
	(pc) =	sbr.rel @p0 .LBB2_4-.Ltmp0, $4  }
0x7: {  	s2 =	rddreg [dreg:$0x6]  }
0x8: {  	s3 =	rddreg [dreg:$0x7];
	s9 =	simm.s32 $0x0  }
0x9: {  	[smem:$0x7FF] =	sst s9  }
0xa: {  	s0 =	rddreg [dreg:$0x8];
	_ =	strace $0x80000047  }
0xb: {  	s11 =	sshll.u32 s1, $0x4  }
0xc: {  	s11 =	smin.u32 s11, $0x74  }
0xd: {  	s11 =	smul.u32 $0x6, s11  }
0xe: {  	v0 =	vlaneseq.u32  }
0xf: {  	v0 =	vmul.u32 $0x6, v0;
	s11 =	sshrl.u32 s11, $0x3  }
0x10: {  	s15 =	simm.s32 $0x2;
	s10 =	sadd.s32 s10, s11  }
0x11: {  	[tilespmem:s9], [sflag:$0x2] =	stream.linear.gather [hbm4b:s10+s9], $0x60, $0x38;
	[tilespmem:$0x3C80] =	vst v63  }
0x12: {  	_ =	swait.ge [sflag:s15], $0x60  }
0x13: {  	[sflag:s15] =	ssyncset.done $0x0  }
0x14: {  	[sflag:s15] =	ssyncadd.s32 $0xFFFFFFA0  }
0x15: {  	v1 =	vld.idx.msk [tilespmem:v0+s9+$0x0], $0xffff  }
0x16: {  	v2 =	vor.u32 $0x1, v0;
	_ =	sdelay $0x3  }
0x17: {  	[tilespmem:$0x80] =	vst v1  }
0x18: {  	v1 =	vld.idx.msk [tilespmem:v2+s9+$0x0], $0xffff  }
0x19: {  	v2 =	vadd.s32 $0x2, v0;
	_ =	sdelay $0x3  }
0x1a: {  	[tilespmem:$0x100] =	vst v1  }
0x1b: {  	v1 =	vld.idx.msk [tilespmem:v2+s9+$0x0], $0xffff  }
0x1c: {  	v2 =	vadd.s32 $0x3, v0;
	_ =	sdelay $0x3  }
0x1d: {  	[tilespmem:$0x180] =	vst v1  }
0x1e: {  	v1 =	vld.idx.msk [tilespmem:v2+s9+$0x0], $0xffff  }
0x1f: {  	v2 =	vadd.s32 $0x4, v0;
	_ =	sdelay $0x3  }
0x20: {  	[tilespmem:$0x200] =	vst v1  }
0x21: {  	v1 =	vld.idx.msk [tilespmem:v2+s9+$0x0], $0xffff  }
0x22: {  	v0 =	vadd.s32 $0x5, v0;
	_ =	sdelay $0x3  }
0x23: {  	[tilespmem:$0x280] =	vst v1  }
0x24: {  	v0 =	vld.idx.msk [tilespmem:v0+s9+$0x0], $0xffff;
	_ =	sdelay $0x4  }
0x25: {  	s16 =	simm.s32 $0x10;
	s17 =	simm.s32 $0x80;
	s18 =	simm.s32 $0x480;
	[tilespmem:$0x300] =	vst v0  }
0x26: {  	[tilespmem:s18], [sflag:$0x1] =	stream.indirect.gather [hbm4b:s8+s16], $0x80, s17, s16, $0xb8;
	[tilespmem:$0x3C80] =	vst v63  }
0x27: {  	s19 =	simm.s32 $0x100;
	s20 =	simm.s32 $0xC80  }
0x28: {  	[tilespmem:s20], [sflag:$0x1] =	stream.indirect.gather [hbm4b:s7+s16], $0x80, s19, s16, $0xb8;
	[tilespmem:$0x3C80] =	vst v63  }
0x29: {  	s21 =	simm.s32 $0x180;
	s22 =	simm.s32 $0x1480  }
0x2a: {  	[tilespmem:s22], [sflag:$0x1] =	stream.indirect.gather [hbm4b:s6+s16], $0x80, s21, s16, $0xb8;
	[tilespmem:$0x3C80] =	vst v63  }
0x2b: {  	s23 =	simm.s32 $0x200;
	s24 =	simm.s32 $0x1C80  }
0x2c: {  	[tilespmem:s24], [sflag:$0x1] =	stream.indirect.gather [hbm4b:s5+s16], $0x80, s23, s16, $0xb8;
	[tilespmem:$0x3C80] =	vst v63  }
0x2d: {  	s25 =	simm.s32 $0x280;
	s26 =	simm.s32 $0x2480  }
0x2e: {  	[tilespmem:s26], [sflag:$0x1] =	stream.indirect.gather [hbm4b:s4+s16], $0x80, s25, s16, $0xb8;
	[tilespmem:$0x3C80] =	vst v63  }
0x2f: {  	s28 =	simm.s32 $0x300;
	s29 =	simm.s32 $0x2C80;
	s30 =	simm.s32 $0x1  }
0x30: {  	[tilespmem:s29], [sflag:$0x1] =	stream.indirect.gather [hbm4b:s2+s16], $0x80, s28, s16, $0xb8;
	[tilespmem:$0x3C80] =	vst v63  }
0x31: {  	_ =	swait.ge [sflag:s30], $0x800  }
0x32: {  	[sflag:s30] =	ssyncset.done $0x0  }
0x33: {  	[sflag:s30] =	ssyncadd.s32 $0xFFFFF800  }
0x34: {  	_ =	swait.ge [sflag:s30], $0x800  }
0x35: {  	[sflag:s30] =	ssyncset.done $0x0  }
0x36: {  	[sflag:s30] =	ssyncadd.s32 $0xFFFFF800  }
0x37: {  	_ =	swait.ge [sflag:s30], $0x800  }
0x38: {  	[sflag:s30] =	ssyncset.done $0x0  }
0x39: {  	[sflag:s30] =	ssyncadd.s32 $0xFFFFF800  }
0x3a: {  	_ =	swait.ge [sflag:s30], $0x800  }
0x3b: {  	[sflag:s30] =	ssyncset.done $0x0  }
0x3c: {  	[sflag:s30] =	ssyncadd.s32 $0xFFFFF800  }
0x3d: {  	_ =	swait.ge [sflag:s30], $0x800  }
0x3e: {  	[sflag:s30] =	ssyncset.done $0x0  }
0x3f: {  	[sflag:s30] =	ssyncadd.s32 $0xFFFFF800  }
0x40: {  	_ =	swait.ge [sflag:s30], $0x800  }
0x41: {  	[sflag:s30] =	ssyncset.done $0x0  }
0x42: {  	s4 =	simm.s32 $0x0;
	[sflag:s30] =	ssyncadd.s32 $0xFFFFF800  }
0x43: {  	v0 =	vld [tilespmem:s4+$0x4F0]  }
0x44: {  	v1 =	vld [tilespmem:s4+$0xCF0]  }
0x45: {  	v2 =	vld [tilespmem:s4+$0x480]  }
0x46: {  	v3 =	vld [tilespmem:s4+$0x14F0]  }
0x47: {  	v4 =	vld [tilespmem:s4+$0xC80]  }
0x48: {  	v5 =	vld [tilespmem:s4+$0x1CF0]  }
0x49: {  	v6 =	vld [tilespmem:s4+$0x490]  }
0x4a: {  	v7 =	vld [tilespmem:s4+$0xC90]  }
0x4b: {  	v8 =	vld [tilespmem:s4+$0x4A0]  }
0x4c: {  	v9 =	vld [tilespmem:s4+$0x4B0]  }
0x4d: {  	v10 =	vld [tilespmem:s4+$0x4C0]  }
0x4e: {  	v11 =	vld [tilespmem:s4+$0x4D0]  }
0x4f: {  	v12 =	vld [tilespmem:s4+$0x4E0]  }
0x50: {  	v13 =	vld [tilespmem:s4+$0xCE0]  }
0x51: {  	v14 =	vld [tilespmem:s4+$0x1480]  }
0x52: {  	v15 =	vld [tilespmem:s4+$0x1490]  }
0x53: {  	v16 =	vld [tilespmem:s4+$0x14A0]  }
0x54: {  	v17 =	vld [tilespmem:s4+$0x14B0]  }
0x55: {  	v18 =	vld [tilespmem:s4+$0x14C0]  }
0x56: {  	v19 =	vld [tilespmem:s4+$0x14D0]  }
0x57: {  	v20 =	vld [tilespmem:s4+$0x14E0]  }
0x58: {  	v21 =	vld [tilespmem:s4+$0x1C80]  }
0x59: {  	v22 =	vld [tilespmem:s4+$0x1C90]  }
0x5a: {  	v23 =	vld [tilespmem:s4+$0x1CA0]  }
0x5b: {  	v24 =	vld [tilespmem:s4+$0x1CB0]  }
0x5c: {  	v25 =	vld [tilespmem:s4+$0x1CC0]  }
0x5d: {  	v26 =	vld [tilespmem:s4+$0x1CD0]  }
0x5e: {  	v27 =	vld [tilespmem:s4+$0x1CE0]  }
0x5f: {  	v55 =	vld [tilespmem:s4+$0x24D0];
	v0 =	vadd.f32 v1, v0  }
0x60: {  	v1 =	vld [tilespmem:s4+$0x24F0]  }
0x61: {  	v56 =	vld [tilespmem:s4+$0x24E0];
	v0 =	vadd.f32 v3, v0  }
0x62: {  	v3 =	vld [tilespmem:s4+$0x2CF0]  }
0x63: {  	v0 =	vadd.f32 v5, v0;
	v5 =	vld [tilespmem:s4+$0xCA0]  }
0x64: {  	v57 =	vld [tilespmem:s4+$0x2C80];
	v2 =	vadd.f32 v4, v2  }
0x65: {  	v6 =	vadd.f32 v7, v6;
	v0 =	vadd.f32 v1, v0;
	v1 =	vld [tilespmem:s4+$0xCB0]  }
0x66: {  	v4 =	vld [tilespmem:s4+$0x2480];
	v7 =	vadd.f32 v13, v12;
	v2 =	vadd.f32 v14, v2  }
0x67: {  	v6 =	vadd.f32 v15, v6;
	v0 =	vadd.f32 v3, v0;
	v3 =	vld [tilespmem:s4+$0xCC0]  }
0x68: {  	v7 =	vadd.f32 v20, v7;
	v5 =	vadd.f32 v5, v8;
	v8 =	vld [tilespmem:s4+$0x2490]  }
0x69: {  	v2 =	vadd.f32 v21, v2;
	v6 =	vadd.f32 v22, v6;
	[tilespmem:s4+$0x34F0] =	vst v0;
	v0 =	vld [tilespmem:s4+$0xCD0]  }
0x6a: {  	v60 =	vadd.f32 v27, v7;
	v1 =	vadd.f32 v1, v9;
	v9 =	vld [tilespmem:s4+$0x24A0]  }
0x6b: {  	v58 =	vld [tilespmem:s4+$0x2C90];
	v61 =	vadd.f32 v4, v2;
	v5 =	vadd.f32 v16, v5  }
0x6c: {  	v3 =	vadd.f32 v3, v10;
	v10 =	vld [tilespmem:s4+$0x24B0];
	v1 =	vadd.f32 v17, v1  }
0x6d: {  	v59 =	vld [tilespmem:s4+$0x2CA0];
	v5 =	vadd.f32 v23, v5;
	v62 =	vadd.f32 v8, v6  }
0x6e: {  	v0 =	vadd.f32 v0, v11;
	v11 =	vld [tilespmem:s4+$0x24C0];
	v3 =	vadd.f32 v18, v3  }
0x6f: {  	v7 =	vld [tilespmem:s4+$0x2CB0];
	v1 =	vadd.f32 v24, v1;
	v63 =	vadd.f32 v9, v5  }
0x70: {  	v4 =	vld [tilespmem:s4+$0x2CC0];
	v0 =	vadd.f32 v19, v0;
	v3 =	vadd.f32 v25, v3  }
0x71: {  	v8 =	vld [tilespmem:s4+$0x2CE0];
	v6 =	vadd.f32 v10, v1;
	v10 =	vadd.f32 v57, v61  }
0x72: {  	s6 =	simm.s32 $0x80;
	v5 =	vld [tilespmem:s4+$0x2CD0];
	v9 =	vadd.f32 v58, v62;
	v0 =	vadd.f32 v26, v0  }
0x73: {  	s31 =	sshll.u32 s1, $0x8;
	v1 =	vld [tilespmem:s6+$0x4F0];
	v2 =	vadd.f32 v11, v3;
	[tilespmem:s4+$0x3480] =	vst v10;
	v10 =	vadd.f32 v59, v63  }
0x74: {  	s5 =	simm.s32 $0x400;
	s2 =	sadd.s32 s3, s31;
	s3 =	sadd.s32 $0x800, s3;
	v3 =	vadd.f32 v55, v0;
	v0 =	vadd.f32 v56, v60  }
.LBB2_2:
0x75: {  	p0 =	sne.s32 s5, $0x1E00;
	v11 =	vld [tilespmem:s6+$0xCF0];
	[tilespmem:s4+$0x3490] =	vst v9;
	v6 =	vadd.f32 v7, v6  }
0x76: {  	v7 =	vld [tilespmem:s6+$0x480];
	[tilespmem:s4+$0x34A0] =	vst v10;
	v2 =	vadd.f32 v4, v2  }
0x77: {  	v4 =	vld [tilespmem:s6+$0x14F0];
	[tilespmem:s4+$0x34B0] =	vst v6;
	v3 =	vadd.f32 v5, v3  }
0x78: {  	v5 =	vld [tilespmem:s6+$0xC80];
	[tilespmem:s4+$0x34C0] =	vst v2;
	v0 =	vadd.f32 v8, v0  }
0x79: {  	v2 =	vld [tilespmem:s6+$0x1CF0];
	[tilespmem:s4+$0x34D0] =	vst v3  }
0x7a: {  	v3 =	vld [tilespmem:s6+$0x490];
	v1 =	vadd.f32 v11, v1;
	[tilespmem:s4+$0x34E0] =	vst v0;
	s4 =	smov.u32 s6  }
0x7b: {  	v0 =	vld [tilespmem:s4+$0x24F0]  }
0x7c: {  	v6 =	vld [tilespmem:s4+$0xC90];
	v1 =	vadd.f32 v4, v1  }
0x7d: {  	v4 =	vadd.f32 v5, v7;
	v5 =	vld [tilespmem:s4+$0x2CF0]  }
0x7e: {  	v7 =	vld [tilespmem:s4+$0x4A0];
	v1 =	vadd.f32 v2, v1  }
0x7f: {  	v2 =	vld [tilespmem:s4+$0xCA0]  }
0x80: {  	v8 =	vld [tilespmem:s4+$0x4B0];
	v0 =	vadd.f32 v0, v1  }
0x81: {  	v1 =	vadd.f32 v6, v3;
	v3 =	vld [tilespmem:s4+$0xCB0]  }
0x82: {  	v6 =	vld [tilespmem:s4+$0x4C0];
	v0 =	vadd.f32 v5, v0  }
0x83: {  	v5 =	vld [tilespmem:s4+$0xCC0]  }
0x84: {  	v2 =	vadd.f32 v2, v7;
	v7 =	vld [tilespmem:s4+$0x4D0];
	[tilespmem:s4+$0x34F0] =	vst v0  }
0x85: {  	v0 =	vld [tilespmem:s4+$0xCD0]  }
0x86: {  	v3 =	vadd.f32 v3, v8;
	v8 =	vld [tilespmem:s4+$0x4E0]  }
0x87: {  	v9 =	vld [tilespmem:s4+$0xCE0]  }
0x88: {  	v10 =	vld [tilespmem:s4+$0x1480];
	v5 =	vadd.f32 v5, v6  }
0x89: {  	v6 =	vld [tilespmem:s4+$0x1490]  }
0x8a: {  	v11 =	vld [tilespmem:s4+$0x14A0];
	v0 =	vadd.f32 v0, v7  }
0x8b: {  	v7 =	vld [tilespmem:s4+$0x14B0]  }
0x8c: {  	v12 =	vld [tilespmem:s4+$0x14C0];
	v8 =	vadd.f32 v9, v8  }
0x8d: {  	v4 =	vadd.f32 v10, v4;
	v9 =	vld [tilespmem:s4+$0x14D0]  }
0x8e: {  	v1 =	vadd.f32 v6, v1;
	v6 =	vld [tilespmem:s4+$0x14E0]  }
0x8f: {  	v10 =	vld [tilespmem:s4+$0x1C80];
	v2 =	vadd.f32 v11, v2  }
0x90: {  	v11 =	vld [tilespmem:s4+$0x1C90];
	v3 =	vadd.f32 v7, v3  }
0x91: {  	v7 =	vld [tilespmem:s4+$0x1CA0];
	v5 =	vadd.f32 v12, v5  }
0x92: {  	v12 =	vld [tilespmem:s4+$0x1CB0];
	v0 =	vadd.f32 v9, v0  }
0x93: {  	v9 =	vld [tilespmem:s4+$0x1CC0];
	v6 =	vadd.f32 v6, v8  }
0x94: {  	v4 =	vadd.f32 v10, v4;
	v8 =	vld [tilespmem:s4+$0x1CD0]  }
0x95: {  	v1 =	vadd.f32 v11, v1;
	v10 =	vld [tilespmem:s4+$0x1CE0]  }
0x96: {  	v11 =	vld [tilespmem:s4+$0x2480];
	v2 =	vadd.f32 v7, v2  }
0x97: {  	v7 =	vld [tilespmem:s4+$0x2490];
	v3 =	vadd.f32 v12, v3  }
0x98: {  	v12 =	vld [tilespmem:s4+$0x24A0];
	v5 =	vadd.f32 v9, v5  }
0x99: {  	v9 =	vld [tilespmem:s4+$0x24B0];
	v0 =	vadd.f32 v8, v0  }
0x9a: {  	v8 =	vld [tilespmem:s4+$0x24C0];
	v10 =	vadd.f32 v10, v6  }
0x9b: {  	v11 =	vadd.f32 v11, v4;
	v4 =	vld [tilespmem:s4+$0x24D0]  }
0x9c: {  	v1 =	vadd.f32 v7, v1;
	v13 =	vld [tilespmem:s4+$0x24E0]  }
0x9d: {  	v14 =	vld [tilespmem:s4+$0x2C80];
	v12 =	vadd.f32 v12, v2  }
0x9e: {  	v15 =	vld [tilespmem:s4+$0x2C90];
	v6 =	vadd.f32 v9, v3  }
0x9f: {  	v16 =	vld [tilespmem:s4+$0x2CA0];
	v2 =	vadd.f32 v8, v5  }
.Ltmp1:
0xa0: {  	v7 =	vld [tilespmem:s4+$0x2CB0];
	v3 =	vadd.f32 v4, v0;
	(pc) =	sbr.rel @p0 .LBB2_2-.Ltmp1, $4  }
0xa1: {  	v4 =	vld [tilespmem:s4+$0x2CC0];
	v0 =	vadd.f32 v13, v10  }
0xa2: {  	v10 =	vadd.f32 v14, v11;
	v5 =	vld [tilespmem:s4+$0x2CD0]  }
0xa3: {  	s6 =	sshra.s32 s5, $0x2;
	v9 =	vadd.f32 v15, v1;
	v8 =	vld [tilespmem:s4+$0x2CE0]  }
0xa4: {  	s5 =	sadd.s32 $0x200, s5;
	v1 =	vld [tilespmem:s6+$0x4F0];
	[tilespmem:s4+$0x3480] =	vst v10;
	v10 =	vadd.f32 v16, v12  }
0xa5: {  	v11 =	vld [tilespmem:s6+$0xCF0];
	[tilespmem:s4+$0x3490] =	vst v9;
	v6 =	vadd.f32 v7, v6  }
0xa6: {  	v9 =	vld [tilespmem:s6+$0x480];
	[tilespmem:s4+$0x34A0] =	vst v10;
	v2 =	vadd.f32 v4, v2  }
0xa7: {  	v34 =	vld [tilespmem:s6+$0x14F0];
	[tilespmem:s4+$0x34B0] =	vst v6;
	v3 =	vadd.f32 v5, v3  }
0xa8: {  	v35 =	vld [tilespmem:s6+$0xC80];
	[tilespmem:s4+$0x34C0] =	vst v2;
	v0 =	vadd.f32 v8, v0  }
0xa9: {  	v2 =	vld [tilespmem:s6+$0x1CF0];
	[tilespmem:s4+$0x34D0] =	vst v3  }
0xaa: {  	v3 =	vld [tilespmem:s6+$0x490];
	[tilespmem:s4+$0x34E0] =	vst v0  }
0xab: {  	v37 =	vld [tilespmem:s6+$0x24F0]  }
0xac: {  	v38 =	vld [tilespmem:s6+$0xC90]  }
0xad: {  	v6 =	vld [tilespmem:s6+$0x2CF0]  }
0xae: {  	v39 =	vld [tilespmem:s6+$0x4A0]  }
0xaf: {  	v40 =	vld [tilespmem:s6+$0xCA0]  }
0xb0: {  	v41 =	vld [tilespmem:s6+$0x4B0]  }
0xb1: {  	v42 =	vld [tilespmem:s6+$0xCB0]  }
0xb2: {  	v10 =	vld [tilespmem:s6+$0x4C0]  }
0xb3: {  	v43 =	vld [tilespmem:s6+$0xCC0]  }
0xb4: {  	v44 =	vld [tilespmem:s6+$0x4D0]  }
0xb5: {  	v45 =	vld [tilespmem:s6+$0xCD0]  }
0xb6: {  	v12 =	vld [tilespmem:s6+$0x4E0]  }
0xb7: {  	v13 =	vld [tilespmem:s6+$0xCE0]  }
0xb8: {  	v14 =	vld [tilespmem:s6+$0x1480]  }
0xb9: {  	v15 =	vld [tilespmem:s6+$0x1490]  }
0xba: {  	v16 =	vld [tilespmem:s6+$0x14A0]  }
0xbb: {  	v17 =	vld [tilespmem:s6+$0x14B0]  }
0xbc: {  	v18 =	vld [tilespmem:s6+$0x14C0]  }
0xbd: {  	v19 =	vld [tilespmem:s6+$0x14D0]  }
0xbe: {  	v20 =	vld [tilespmem:s6+$0x14E0]  }
0xbf: {  	v21 =	vld [tilespmem:s6+$0x1C80]  }
0xc0: {  	v36 =	vadd.f32 v11, v1;
	v22 =	vld [tilespmem:s6+$0x1C90]  }
0xc1: {  	v23 =	vld [tilespmem:s6+$0x1CA0]  }
0xc2: {  	v24 =	vld [tilespmem:s6+$0x1CB0];
	v0 =	vadd.f32 v34, v36  }
0xc3: {  	v25 =	vld [tilespmem:s6+$0x1CC0]  }
0xc4: {  	v26 =	vld [tilespmem:s6+$0x1CD0];
	v0 =	vadd.f32 v2, v0  }
0xc5: {  	v27 =	vld [tilespmem:s6+$0x1CE0];
	v4 =	vadd.f32 v35, v9  }
0xc6: {  	v46 =	vld [tilespmem:s6+$0x2480];
	v0 =	vadd.f32 v37, v0;
	v3 =	vadd.f32 v38, v3  }
0xc7: {  	v47 =	vld [tilespmem:s6+$0x2490];
	v2 =	vadd.f32 v40, v39;
	v1 =	vadd.f32 v42, v41  }
0xc8: {  	v48 =	vld [tilespmem:s6+$0x24A0];
	v49 =	vadd.f32 v13, v12;
	v4 =	vadd.f32 v14, v4  }
0xc9: {  	v50 =	vld [tilespmem:s6+$0x24B0];
	v0 =	vadd.f32 v6, v0;
	v6 =	vadd.f32 v43, v10  }
0xca: {  	v51 =	vld [tilespmem:s6+$0x24C0];
	v3 =	vadd.f32 v15, v3;
	v2 =	vadd.f32 v16, v2  }
0xcb: {  	v52 =	vld [tilespmem:s6+$0x24D0];
	v1 =	vadd.f32 v17, v1;
	v8 =	vadd.f32 v20, v49  }
0xcc: {  	v53 =	vld [tilespmem:s6+$0x24E0];
	v4 =	vadd.f32 v21, v4;
	[tilespmem:s6+$0x34F0] =	vst v0;
	v0 =	vadd.f32 v45, v44  }
0xcd: {  	v54 =	vld [tilespmem:s6+$0x2C80];
	v6 =	vadd.f32 v18, v6;
	v3 =	vadd.f32 v22, v3  }
0xce: {  	v55 =	vld [tilespmem:s6+$0x2C90];
	v2 =	vadd.f32 v23, v2;
	v1 =	vadd.f32 v24, v1  }
0xcf: {  	v56 =	vld [tilespmem:s6+$0x2CA0];
	v4 =	vadd.f32 v46, v4;
	v8 =	vadd.f32 v27, v8  }
0xd0: {  	v57 =	vld [tilespmem:s6+$0x2CB0];
	v0 =	vadd.f32 v19, v0;
	v6 =	vadd.f32 v25, v6  }
0xd1: {  	v60 =	vld [tilespmem:s6+$0x2CE0];
	v3 =	vadd.f32 v47, v3;
	v2 =	vadd.f32 v48, v2  }
0xd2: {  	v58 =	vld [tilespmem:s6+$0x2CC0];
	v4 =	vadd.f32 v54, v4;
	v1 =	vadd.f32 v50, v1  }
0xd3: {  	v59 =	vld [tilespmem:s6+$0x2CD0];
	v61 =	vadd.f32 v53, v8;
	v3 =	vadd.f32 v55, v3  }
0xd4: {  	v0 =	vadd.f32 v26, v0;
	[tilespmem:s6+$0x3480] =	vst v4;
	v2 =	vadd.f32 v56, v2  }
0xd5: {  	v6 =	vadd.f32 v51, v6;
	v1 =	vadd.f32 v57, v1;
	[tilespmem:s6+$0x3490] =	vst v3  }
0xd6: {  	v63 =	vadd.f32 v60, v61;
	v0 =	vadd.f32 v52, v0;
	[tilespmem:s6+$0x34A0] =	vst v2  }
0xd7: {  	v62 =	vadd.f32 v58, v6;
	[tilespmem:s6+$0x34B0] =	vst v1  }
0xd8: {  	[tilespmem:s6+$0x34E0] =	vst v63;
	v0 =	vadd.f32 v59, v0  }
0xd9: {  	p0 =	seq.s32 s1, $0x8;
	[tilespmem:s6+$0x34C0] =	vst v62  }
0xda: {  	s5 =	simm.s32 @p0 $0x3A80;
	s4 =	simm.s32 @p0 $0x0;
	[tilespmem:s6+$0x34D0] =	vst v0  }
0xdb: {  	[hbm4b:s3+s4] =	stream.linear.scatter @p0 [tilespmem:s5], [sflag:$0x2], $0x200, $0x38;
	[tilespmem:$0x3C80] =	vst v63  }
0xdc: {  	s3 =	simm.s32 @p0 $0x2  }
0xdd: {  	_ =	swait.ge @p0 [sflag:s3], $0x200  }
0xde: {  	[sflag:s3] =	ssyncset.done @p0 $0x0  }
0xdf: {  	s4 =	simm.s32 @!p0 $0x3480;
	[sflag:s3] =	ssyncadd.s32 @p0 $0xFFFFFE00;
	s3 =	simm.s32 @!p0 $0x0  }
0xe0: {  	[hbm4b:s2+s3] =	stream.linear.scatter @!p0 [tilespmem:s4], [sflag:$0x2], $0x800, $0x38;
	[tilespmem:$0x3C80] =	vst v63  }
0xe1: {  	s2 =	simm.s32 @!p0 $0x2  }
0xe2: {  	_ =	swait.ge @!p0 [sflag:s2], $0x800  }
0xe3: {  	[sflag:s2] =	ssyncset.done @!p0 $0x0  }
0xe4: {  	[sflag:s2] =	ssyncadd.s32 @!p0 $0xFFFFF800  }
.LBB2_4:
0xe5: {  	_ =	sfence.sel $0x180000  }
0xe6: {  	[bflag:$0x0] =	sbarrier.arrive $0xFFFF  }
0xe7: {  	p0 =	sne.s32 s1, $0x0;
	_ =	strace $0x90000047  }
0xe8: {  	s0 =	sadd.s32 @!p0 $0x100000, s0;
	[bflag:$0x2] =	sbarrier.arrive $0xFFFF  }
0xe9: {  	[sflag:s0] =	ssyncadd.tile.s32 @!p0 $0x1;
	_ =	shalt  }
.Lfunc_end2:
_tile_overlayer_lowered:
.L_overlay_start_2:
0xea: {  	(tag) =	ssettag $0x2  }
0xeb: {  	s0 =	rddreg [dreg:$0x0];
	s2 =	stileid.u32  }
0xec: {  	s1 =	rddreg [dreg:$0x1];
	p0 =	sne.s32 s2, $0x0  }
0xed: {  	s3 =	rddreg [dreg:$0x2];
	[bflag:$0x3] =	sbarrier.arrive $0xFFFF;
	s2 =	simm.s32 @!p0 $0x1C02  }
0xee: {  	[timem:s3], [sflag:s2] =	dma.local @!p0 [hbm:s0], s1  }
0xef: {  	s0 =	simm.s32 @!p0 $0x2  }
0xf0: {  	_ =	swait.ge @!p0 [sflag:s0], s1  }
0xf1: {  	s1 =	ssub.s32 @!p0 $0x0, s1;
	[sflag:s0] =	ssyncset.done @!p0 $0x0  }
0xf2: {  	[sflag:s0] =	ssyncadd.s32 @!p0 s1  }
0xf3: {  	[bflag:$0x3] =	sbarrier.arrive $0xFFFF  }
0xf4: {  	_ =	shalt  }

</sc_bundles>
